<compile_context>
chip_gen: v7x
topology: tpu7x:2x2x1
jax: 0.10.2.dev20260603
libtpu: 0.0.44.dev20260713+nightly
codegen_flags: <defaults>
</compile_context>

<pallas_src>
import functools

import jax
import jax.numpy as jnp
from jax import lax
from jax.experimental import pallas as pl
from jax.experimental.pallas import tpu as pltpu
from jax.experimental.pallas import tpu_sc as plsc

_N_CODE = 1024
_D_K = 64
_PE_LAM = 100000.0
_TAU = float(_D_K) ** 0.5
_EPS = 1e-6

_SC_CORES = 2
_SC_SUBCORES = 16
_NW = _SC_CORES * _SC_SUBCORES
_CH = 128

_TL = 512
_D_AUG = 65


def _codebook():
    pos = jnp.arange(_N_CODE, dtype=jnp.float32)
    inv = 1.0 / (_PE_LAM ** (jnp.arange(0, _D_K, 2, dtype=jnp.float32) / _D_K))
    pre = pos[:, None] * inv[None, :]
    cat = jnp.concatenate([jnp.sin(pre), jnp.cos(pre)], axis=-1)
    ms = jnp.mean(jnp.square(cat), axis=-1, keepdims=True)
    return (_TAU ** -0.5) * (cat * lax.rsqrt(ms + _EPS))


def _argmin_body(vecs_ref, cba_ref, sidx_ref, mask_ref, z_ref,
                 errs_ref, commit_ref):
    vt = vecs_ref[0, 0]
    v_aug = jnp.concatenate(
        [vt, jnp.ones((1, _TL), jnp.float32)], axis=0)
    r = lax.dot_general(cba_ref[...], v_aug, (((1,), (0,)), ((), ())),
                        preferred_element_type=jnp.float32)
    m = jnp.min(r, axis=0, keepdims=True)
    zf = jnp.sum(jnp.where(r == m, sidx_ref[...], 0.0), axis=0)
    vsq = jnp.sum(vt * vt, axis=0, keepdims=True)
    e = jnp.maximum(vsq[0, :] + m[0, :], 0.0)
    z_ref[...] = zf.astype(jnp.int32)
    errs_ref[...] = e
    commit_ref[0, 0, 0] = jnp.sum(mask_ref[0, 0, :] * e)


def _shortcodes_tc(v4t, cba, sidx, mask3, n_rows, h0, hc, lt):
    nb = n_rows // _TL
    return pl.pallas_call(
        _argmin_body,
        grid=(nb,),
        in_specs=[
            pl.BlockSpec((1, 1, _D_K, _TL),
                         lambda t: (t // (hc * lt), h0 + (t // lt) % hc, 0,
                                    t % lt)),
            pl.BlockSpec((_N_CODE, _D_AUG), lambda t: (0, 0)),
            pl.BlockSpec((_N_CODE, _TL), lambda t: (0, 0)),
            pl.BlockSpec((1, 1, _TL),
                         lambda t: (t // (hc * lt) * lt + t % lt, 0, 0)),
        ],
        out_specs=[
            pl.BlockSpec((_TL,), lambda t: (t,)),
            pl.BlockSpec((_TL,), lambda t: (t,)),
            pl.BlockSpec((1, 1, 1), lambda t: (t, 0, 0),
                         memory_space=pltpu.SMEM),
        ],
        out_shape=[
            jax.ShapeDtypeStruct((n_rows,), jnp.int32),
            jax.ShapeDtypeStruct((n_rows,), jnp.float32),
            jax.ShapeDtypeStruct((nb, 1, 1), jnp.float32),
        ],
    )(v4t, cba, sidx, mask3)


def _gather_codewords_sc(cb, zflat):
    n = zflat.shape[0]
    per_w = n // _NW
    nchunk = per_w // _CH
    mesh = plsc.VectorSubcoreMesh(core_axis_name="c", subcore_axis_name="s")

    @functools.partial(
        pl.kernel,
        mesh=mesh,
        compiler_params=pltpu.CompilerParams(use_tc_tiling_on_sc=False),
        out_type=jax.ShapeDtypeStruct((n, _D_K), jnp.float32),
        scratch_types=[
            pltpu.VMEM((per_w,), jnp.int32),
            pltpu.VMEM((_CH, _D_K), jnp.float32),
            pltpu.VMEM((_CH, _D_K), jnp.float32),
            pltpu.SemaphoreType.DMA,
            pltpu.SemaphoreType.DMA,
        ],
    )
    def gk(table_hbm, idx_hbm, out_hbm, idx_v, rows0, rows1, sem0, sem1):
        wid = lax.axis_index("s") * _SC_CORES + lax.axis_index("c")
        base = wid * per_w
        pltpu.sync_copy(idx_hbm.at[pl.ds(base, per_w)], idx_v)

        def start(j, rows, sem):
            return pltpu.async_copy(
                table_hbm.at[idx_v.at[pl.ds(j * _CH, _CH)]], rows, sem)

        start(0, rows0, sem0)

        def body(jj, carry):
            j0 = 2 * jj
            j1 = j0 + 1
            start(j1, rows1, sem1)
            pltpu.make_async_copy(
                table_hbm.at[idx_v.at[pl.ds(j0 * _CH, _CH)]], rows0,
                sem0).wait()
            pltpu.sync_copy(rows0, out_hbm.at[pl.ds(base + j0 * _CH, _CH)])

            @pl.when(j1 + 1 < nchunk)
            def _():
                start(j1 + 1, rows0, sem0)

            pltpu.make_async_copy(
                table_hbm.at[idx_v.at[pl.ds(j1 * _CH, _CH)]], rows1,
                sem1).wait()
            pltpu.sync_copy(rows1, out_hbm.at[pl.ds(base + j1 * _CH, _CH)])
            return carry

        lax.fori_loop(0, nchunk // 2, body, 0)

    return gk(cb, zflat)


def kernel(vecs, loss_mask):
    b, h, l, d = vecs.shape
    n = b * h * l
    lt = l // _TL
    cb = _codebook()
    cbsq = jnp.sum(jnp.square(cb), axis=-1)[:, None]
    cba = jnp.concatenate([-2.0 * cb, cbsq], axis=1)
    sidx = jnp.broadcast_to(
        jnp.arange(_N_CODE, dtype=jnp.float32)[:, None],
        (_N_CODE, _TL))
    mask3 = loss_mask.reshape(b * lt, 1, _TL)
    v4t = jnp.transpose(vecs, (0, 1, 3, 2))
    nchunks = 2
    hc = h // nchunks
    zs, es, cs, hats = [], [], [], []
    for i in range(nchunks):
        z1, errs1, commit = _shortcodes_tc(
            v4t, cba, sidx, mask3, n // nchunks, i * hc, hc, lt)
        zs.append(z1.reshape(b, hc, l))
        es.append(errs1.reshape(b, hc, l))
        cs.append(jnp.sum(commit))
        hats.append(_gather_codewords_sc(cb, z1).reshape(b, hc, l, d))
    z = jnp.concatenate(zs, axis=1)
    errs2 = jnp.concatenate(es, axis=1)
    l_commit = sum(cs) / (b * l)
    vecs_hat = jnp.concatenate(hats, axis=1)
    l_codebook = jnp.zeros([], jnp.float32)
    return (vecs_hat, z, l_commit, l_codebook, errs2)

# --- scband reference (transcript-rebuilt; emitter-appended) ---
"""Pipeline reference for scband-simple-vq-13271448944641 (READ-ONLY COPY).

The authoritative reference and input builder live on the scoring server;
editing this copy changes nothing except your own understanding.
"""

import jax, jax.numpy as jnp
import numpy as np

N_CODE = 1024
D_K = 64
PE_LAM = 100000.0
TAU = float(D_K) ** 0.5
EPS = 1e-6


def get_sinusoid_embs(length, width, lam, flip, start=0):
    pos_seq = start + jnp.arange(length, dtype=jnp.float32)
    inv_lams = 1.0 / (lam ** (jnp.arange(0, width, 2, dtype=jnp.float32) / width))
    pre = pos_seq[:, None] * inv_lams[None, :]
    cat = jnp.concatenate([jnp.sin(pre), jnp.cos(pre)], axis=-1)
    if flip:
        cat = jnp.flip(cat, axis=0)
    return cat


def rms_norm(x):
    # LayerNorm(center=False, norm=True, gain=False, bias=False)
    ms = jnp.mean(jnp.square(x), axis=-1, keepdims=True)
    return x * jax.lax.rsqrt(ms + EPS)


def get_codebook():
    c = get_sinusoid_embs(length=N_CODE, width=D_K, start=0, lam=PE_LAM, flip=False)
    return (TAU ** -0.5) * jax.lax.stop_gradient(rms_norm(c))[None, ...]


def get_shortcodes(vecs, codebook):
    diffs2 = (
        jnp.sum(jnp.square(vecs), axis=-1)[..., None]
        - 2.0 * jnp.einsum('bhlk,hsk->bhls', vecs, codebook)
        + jnp.expand_dims(jnp.sum(jnp.square(codebook), axis=-1), (0, 2))
    )
    z = jnp.argmin(diffs2, axis=-1)
    errs2 = jax.nn.relu(jnp.min(diffs2, axis=-1))
    return z.astype(jnp.int32), errs2


def get_codewords(shortcodes, codebook):
    B, H, L = shortcodes.shape
    S, d = codebook.shape[1], codebook.shape[2]
    cb = jnp.broadcast_to(codebook[None, ...], (B, H, S, d))
    idx = jnp.broadcast_to(shortcodes[..., None], (B, H, L, d))
    return jnp.take_along_axis(cb, idx, axis=2)


def setup_inputs(seed: int = 0):
    key = jax.random.key(seed)
    vecs = jax.random.normal(key, (4, 16, 2048, 64), dtype=jnp.float32)
    loss_mask = jnp.ones((4, 2048), dtype=jnp.float32)
    return {"vecs": vecs, "loss_mask": loss_mask}


def reference(vecs, loss_mask):
    sg = jax.lax.stop_gradient
    c = get_codebook()  # [1, S, d_k], shared across heads
    cb = jnp.broadcast_to(c, (vecs.shape[1], c.shape[1], c.shape[2]))  # [H, S, d_k]
    z, errs2 = get_shortcodes(vecs, cb)
    cz = get_codewords(z, cb)
    # straight-through estimator: vecs_hat = sg(cz) + st(vecs)
    vecs_hat = sg(cz) + (vecs - sg(vecs))
    # is_train=True branch
    l_commit = jnp.mean(jnp.sum(loss_mask[:, None, :] * errs2, axis=1))
    l_codebook = jnp.zeros([], dtype=jnp.float32)
    return (vecs_hat, z, l_commit, l_codebook, errs2)

if __name__ == "__main__":
    import jax
    _d = setup_inputs()
    print(jax.jit(kernel)(*tuple(_d.values())))

</pallas_src>

<mosaic_0001>
#map = affine_map<(d0, d1) -> (0, 0)>
#map1 = affine_map<(d0, d1) -> (0)>
module attributes {stable_mosaic.version = 14 : i64} {
  func.func @gk(%arg0: i32, %arg1: i32, %arg2: memref<1024x64xf32, #tpu.memory_space<hbm>>, %arg3: memref<65536xi32, #tpu.memory_space<hbm>>, %arg4: memref<65536x64xf32, #tpu.memory_space<hbm>>, %arg5: memref<2048xi32, #tpu.memory_space<vmem>>, %arg6: memref<128x64xf32, #tpu.memory_space<vmem>>, %arg7: memref<128x64xf32, #tpu.memory_space<vmem>>, %arg8: memref<!tpu.dma_semaphore, #tpu.memory_space<semaphore_mem>>, %arg9: memref<!tpu.dma_semaphore, #tpu.memory_space<semaphore_mem>>) attributes {dimension_semantics = [#tpu.dimension_semantics<core_parallel>, #tpu.dimension_semantics<subcore_parallel>], iteration_bounds = array<i64: 2, 16>, scalar_prefetch = 0 : i64, scratch_operands = 5 : i64, tpu.core_type = #tpu.core_type<sc_vector_subcore>, window_params = [{transform_indices = #map}, {transform_indices = #map1}, {transform_indices = #map}]} {
    %mul3A = arith.constant 2 : i32
    %mul3A_0 = arith.muli %arg1, %mul3A : i32
    %add3A = arith.addi %mul3A_0, %arg0 : i32
    %mul3A_1 = arith.constant 2048 : i32
    %mul3A_2 = arith.muli %add3A, %mul3A_1 : i32
    "tpu.region"() ({
      %run_scoped3A = tpu.sem_alloc : memref<!tpu.dma_semaphore, #tpu.memory_space<semaphore_mem>>
      %dma_start3A_12 = tpu.memref_slice %arg3[%mul3A_2] : memref<65536xi32, #tpu.memory_space<hbm>> -> memref<2048xi32, #tpu.memory_space<hbm>>
      %dma_start3A_13 = tpu.memref_slice %arg3[%mul3A_2] : memref<65536xi32, #tpu.memory_space<hbm>> -> memref<2048xi32, #tpu.memory_space<hbm>>
      tpu.enqueue_dma source(%dma_start3A_13 : memref<2048xi32, #tpu.memory_space<hbm>>) target(%arg5 : memref<2048xi32, #tpu.memory_space<vmem>>) target_semaphore(%run_scoped3A : memref<!tpu.dma_semaphore, #tpu.memory_space<semaphore_mem>>)
      %dma_wait3A = tpu.memref_slice %arg3[%mul3A_2] : memref<65536xi32, #tpu.memory_space<hbm>> -> memref<2048xi32, #tpu.memory_space<hbm>>
      %dma_wait3A_14 = tpu.memref_slice %arg3[%mul3A_2] : memref<65536xi32, #tpu.memory_space<hbm>> -> memref<2048xi32, #tpu.memory_space<hbm>>
      tpu.wait_dma2 semaphore(%run_scoped3A : memref<!tpu.dma_semaphore, #tpu.memory_space<semaphore_mem>>) src(%dma_wait3A_14 : memref<2048xi32, #tpu.memory_space<hbm>>) dst(%arg5 : memref<2048xi32, #tpu.memory_space<vmem>>)
      tpu.yield
    }) : () -> ()
    %dma_start3A = arith.constant 0 : i32
    %dma_start3A_3 = tpu.memref_slice %arg5[%dma_start3A] : memref<2048xi32, #tpu.memory_space<vmem>> -> memref<128xi32, #tpu.memory_space<vmem>>
    %dma_start3A_4 = arith.constant 0 : i32
    %dma_start3A_5 = arith.constant 0 : i32
    %dma_start3A_6 = tpu.memref_slice %arg2[%dma_start3A_4, %dma_start3A_5] : memref<1024x64xf32, #tpu.memory_space<hbm>> -> memref<1024x64xf32, #tpu.memory_space<hbm>>
    tpu.enqueue_indirect_dma source(%dma_start3A_6 : memref<1024x64xf32, #tpu.memory_space<hbm>>) target(%arg6 : memref<128x64xf32, #tpu.memory_space<vmem>>) offsets(%dma_start3A_3 : memref<128xi32, #tpu.memory_space<vmem>>) semaphore(%arg8 : memref<!tpu.dma_semaphore, #tpu.memory_space<semaphore_mem>>)
    %scan3A = arith.constant 0 : i32
    %scan3A_7 = arith.constant 0 : i32
    %scan3A_8 = arith.constant 8 : i32
    %scan3A_9 = arith.addi %scan3A_7, %scan3A_8 : i32
    %scan3A_10 = arith.constant 1 : i32
    scf.for %scan3A_12 = %scan3A_7 to %scan3A_9 step %scan3A_10  : i32 {
      %mul3A_13 = arith.constant 2 : i32
      %mul3A_14 = arith.muli %mul3A_13, %scan3A_12 : i32
      %add3A_15 = arith.constant 1 : i32
      %add3A_16 = arith.addi %mul3A_14, %add3A_15 : i32
      %mul3A_17 = arith.constant 128 : i32
      %mul3A_18 = arith.muli %add3A_16, %mul3A_17 : i32
      %dma_start3A_19 = tpu.memref_slice %arg5[%mul3A_18] : memref<2048xi32, #tpu.memory_space<vmem>> -> memref<128xi32, #tpu.memory_space<vmem>>
      %dma_start3A_20 = arith.constant 0 : i32
      %dma_start3A_21 = arith.constant 0 : i32
      %dma_start3A_22 = tpu.memref_slice %arg2[%dma_start3A_20, %dma_start3A_21] : memref<1024x64xf32, #tpu.memory_space<hbm>> -> memref<1024x64xf32, #tpu.memory_space<hbm>>
      tpu.enqueue_indirect_dma source(%dma_start3A_22 : memref<1024x64xf32, #tpu.memory_space<hbm>>) target(%arg7 : memref<128x64xf32, #tpu.memory_space<vmem>>) offsets(%dma_start3A_19 : memref<128xi32, #tpu.memory_space<vmem>>) semaphore(%arg9 : memref<!tpu.dma_semaphore, #tpu.memory_space<semaphore_mem>>)
      %mul3A_23 = arith.constant 128 : i32
      %mul3A_24 = arith.muli %mul3A_14, %mul3A_23 : i32
      %dma_wait3A = tpu.memref_slice %arg5[%mul3A_24] : memref<2048xi32, #tpu.memory_space<vmem>> -> memref<128xi32, #tpu.memory_space<vmem>>
      %dma_wait3A_25 = arith.constant 0 : i32
      %dma_wait3A_26 = arith.constant 0 : i32
      %dma_wait3A_27 = tpu.memref_slice %arg2[%dma_wait3A_25, %dma_wait3A_26] : memref<1024x64xf32, #tpu.memory_space<hbm>> -> memref<1024x64xf32, #tpu.memory_space<hbm>>
      tpu.wait_indirect_dma semaphore(%arg8 : memref<!tpu.dma_semaphore, #tpu.memory_space<semaphore_mem>>) src(%dma_wait3A_27 : memref<1024x64xf32, #tpu.memory_space<hbm>>) dst(%arg6 : memref<128x64xf32, #tpu.memory_space<vmem>>)
      %mul3A_28 = arith.constant 128 : i32
      %mul3A_29 = arith.muli %mul3A_14, %mul3A_28 : i32
      %add3A_30 = arith.addi %mul3A_2, %mul3A_29 : i32
      "tpu.region"() ({
        %run_scoped3A = tpu.sem_alloc : memref<!tpu.dma_semaphore, #tpu.memory_space<semaphore_mem>>
        %dma_start3A_44 = arith.constant 0 : i32
        %dma_start3A_45 = tpu.memref_slice %arg4[%add3A_30, %dma_start3A_44] : memref<65536x64xf32, #tpu.memory_space<hbm>> -> memref<128x64xf32, #tpu.memory_space<hbm>>
        %dma_start3A_46 = arith.constant 0 : i32
        %dma_start3A_47 = tpu.memref_slice %arg4[%add3A_30, %dma_start3A_46] : memref<65536x64xf32, #tpu.memory_space<hbm>> -> memref<128x64xf32, #tpu.memory_space<hbm>>
        tpu.enqueue_dma source(%arg6 : memref<128x64xf32, #tpu.memory_space<vmem>>) target(%dma_start3A_47 : memref<128x64xf32, #tpu.memory_space<hbm>>) target_semaphore(%run_scoped3A : memref<!tpu.dma_semaphore, #tpu.memory_space<semaphore_mem>>)
        %dma_wait3A_48 = arith.constant 0 : i32
        %dma_wait3A_49 = tpu.memref_slice %arg4[%add3A_30, %dma_wait3A_48] : memref<65536x64xf32, #tpu.memory_space<hbm>> -> memref<128x64xf32, #tpu.memory_space<hbm>>
        %dma_wait3A_50 = arith.constant 0 : i32
        %dma_wait3A_51 = tpu.memref_slice %arg4[%add3A_30, %dma_wait3A_50] : memref<65536x64xf32, #tpu.memory_space<hbm>> -> memref<128x64xf32, #tpu.memory_space<hbm>>
        tpu.wait_dma2 semaphore(%run_scoped3A : memref<!tpu.dma_semaphore, #tpu.memory_space<semaphore_mem>>) src(%arg6 : memref<128x64xf32, #tpu.memory_space<vmem>>) dst(%dma_wait3A_51 : memref<128x64xf32, #tpu.memory_space<hbm>>)
        tpu.yield
      }) : () -> ()
      %add3A_31 = arith.constant 1 : i32
      %add3A_32 = arith.addi %add3A_16, %add3A_31 : i32
      %lt3A = arith.constant 16 : i32
      %lt3A_33 = arith.cmpi slt, %add3A_32, %lt3A : i32
      %convert_element_type3A = arith.extui %lt3A_33 : i1 to i32
      %cond3A = arith.constant 0 : i32
      %cond3A_34 = arith.cmpi ne, %convert_element_type3A, %cond3A : i32
      scf.if %cond3A_34 {
        %add3A_44 = arith.constant 1 : i32
        %add3A_45 = arith.addi %add3A_16, %add3A_44 : i32
        %mul3A_46 = arith.constant 128 : i32
        %mul3A_47 = arith.muli %add3A_45, %mul3A_46 : i32
        %dma_start3A_48 = tpu.memref_slice %arg5[%mul3A_47] : memref<2048xi32, #tpu.memory_space<vmem>> -> memref<128xi32, #tpu.memory_space<vmem>>
        %dma_start3A_49 = arith.constant 0 : i32
        %dma_start3A_50 = arith.constant 0 : i32
        %dma_start3A_51 = tpu.memref_slice %arg2[%dma_start3A_49, %dma_start3A_50] : memref<1024x64xf32, #tpu.memory_space<hbm>> -> memref<1024x64xf32, #tpu.memory_space<hbm>>
        tpu.enqueue_indirect_dma source(%dma_start3A_51 : memref<1024x64xf32, #tpu.memory_space<hbm>>) target(%arg6 : memref<128x64xf32, #tpu.memory_space<vmem>>) offsets(%dma_start3A_48 : memref<128xi32, #tpu.memory_space<vmem>>) semaphore(%arg8 : memref<!tpu.dma_semaphore, #tpu.memory_space<semaphore_mem>>)
      } else {
      }
      %mul3A_35 = arith.constant 128 : i32
      %mul3A_36 = arith.muli %add3A_16, %mul3A_35 : i32
      %dma_wait3A_37 = tpu.memref_slice %arg5[%mul3A_36] : memref<2048xi32, #tpu.memory_space<vmem>> -> memref<128xi32, #tpu.memory_space<vmem>>
      %dma_wait3A_38 = arith.constant 0 : i32
      %dma_wait3A_39 = arith.constant 0 : i32
      %dma_wait3A_40 = tpu.memref_slice %arg2[%dma_wait3A_38, %dma_wait3A_39] : memref<1024x64xf32, #tpu.memory_space<hbm>> -> memref<1024x64xf32, #tpu.memory_space<hbm>>
      tpu.wait_indirect_dma semaphore(%arg9 : memref<!tpu.dma_semaphore, #tpu.memory_space<semaphore_mem>>) src(%dma_wait3A_40 : memref<1024x64xf32, #tpu.memory_space<hbm>>) dst(%arg7 : memref<128x64xf32, #tpu.memory_space<vmem>>)
      %mul3A_41 = arith.constant 128 : i32
      %mul3A_42 = arith.muli %add3A_16, %mul3A_41 : i32
      %add3A_43 = arith.addi %mul3A_2, %mul3A_42 : i32
      "tpu.region"() ({
        %run_scoped3A = tpu.sem_alloc : memref<!tpu.dma_semaphore, #tpu.memory_space<semaphore_mem>>
        %dma_start3A_44 = arith.constant 0 : i32
        %dma_start3A_45 = tpu.memref_slice %arg4[%add3A_43, %dma_start3A_44] : memref<65536x64xf32, #tpu.memory_space<hbm>> -> memref<128x64xf32, #tpu.memory_space<hbm>>
        %dma_start3A_46 = arith.constant 0 : i32
        %dma_start3A_47 = tpu.memref_slice %arg4[%add3A_43, %dma_start3A_46] : memref<65536x64xf32, #tpu.memory_space<hbm>> -> memref<128x64xf32, #tpu.memory_space<hbm>>
        tpu.enqueue_dma source(%arg7 : memref<128x64xf32, #tpu.memory_space<vmem>>) target(%dma_start3A_47 : memref<128x64xf32, #tpu.memory_space<hbm>>) target_semaphore(%run_scoped3A : memref<!tpu.dma_semaphore, #tpu.memory_space<semaphore_mem>>)
        %dma_wait3A_48 = arith.constant 0 : i32
        %dma_wait3A_49 = tpu.memref_slice %arg4[%add3A_43, %dma_wait3A_48] : memref<65536x64xf32, #tpu.memory_space<hbm>> -> memref<128x64xf32, #tpu.memory_space<hbm>>
        %dma_wait3A_50 = arith.constant 0 : i32
        %dma_wait3A_51 = tpu.memref_slice %arg4[%add3A_43, %dma_wait3A_50] : memref<65536x64xf32, #tpu.memory_space<hbm>> -> memref<128x64xf32, #tpu.memory_space<hbm>>
        tpu.wait_dma2 semaphore(%run_scoped3A : memref<!tpu.dma_semaphore, #tpu.memory_space<semaphore_mem>>) src(%arg7 : memref<128x64xf32, #tpu.memory_space<vmem>>) dst(%dma_wait3A_51 : memref<128x64xf32, #tpu.memory_space<hbm>>)
        tpu.yield
      }) : () -> ()
    }
    %scan3A_11 = arith.constant 8 : i32
    return
  }
}

#map = affine_map<(d0, d1) -> (0, 0)>
#map1 = affine_map<(d0, d1) -> (0)>
module attributes {stable_mosaic.version = 14 : i64} {
  func.func @gk(%arg0: i32, %arg1: i32, %arg2: memref<1024x64xf32, #tpu.memory_space<hbm>>, %arg3: memref<65536xi32, #tpu.memory_space<hbm>>, %arg4: memref<65536x64xf32, #tpu.memory_space<hbm>>, %arg5: memref<2048xi32, #tpu.memory_space<vmem>>, %arg6: memref<128x64xf32, #tpu.memory_space<vmem>>, %arg7: memref<128x64xf32, #tpu.memory_space<vmem>>, %arg8: memref<!tpu.dma_semaphore, #tpu.memory_space<semaphore_mem>>, %arg9: memref<!tpu.dma_semaphore, #tpu.memory_space<semaphore_mem>>) attributes {dimension_semantics = [#tpu.dimension_semantics<core_parallel>, #tpu.dimension_semantics<subcore_parallel>], iteration_bounds = array<i64: 2, 16>, scalar_prefetch = 0 : i64, scratch_operands = 5 : i64, tpu.core_type = #tpu.core_type<sc_vector_subcore>, window_params = [{transform_indices = #map}, {transform_indices = #map1}, {transform_indices = #map}]} {
    %mul3A = arith.constant 2 : i32
    %mul3A_0 = arith.muli %arg1, %mul3A : i32
    %add3A = arith.addi %mul3A_0, %arg0 : i32
    %mul3A_1 = arith.constant 2048 : i32
    %mul3A_2 = arith.muli %add3A, %mul3A_1 : i32
    "tpu.region"() ({
      %run_scoped3A = tpu.sem_alloc : memref<!tpu.dma_semaphore, #tpu.memory_space<semaphore_mem>>
      %dma_start3A_12 = tpu.memref_slice %arg3[%mul3A_2] : memref<65536xi32, #tpu.memory_space<hbm>> -> memref<2048xi32, #tpu.memory_space<hbm>>
      %dma_start3A_13 = tpu.memref_slice %arg3[%mul3A_2] : memref<65536xi32, #tpu.memory_space<hbm>> -> memref<2048xi32, #tpu.memory_space<hbm>>
      tpu.enqueue_dma source(%dma_start3A_13 : memref<2048xi32, #tpu.memory_space<hbm>>) target(%arg5 : memref<2048xi32, #tpu.memory_space<vmem>>) target_semaphore(%run_scoped3A : memref<!tpu.dma_semaphore, #tpu.memory_space<semaphore_mem>>)
      %dma_wait3A = tpu.memref_slice %arg3[%mul3A_2] : memref<65536xi32, #tpu.memory_space<hbm>> -> memref<2048xi32, #tpu.memory_space<hbm>>
      %dma_wait3A_14 = tpu.memref_slice %arg3[%mul3A_2] : memref<65536xi32, #tpu.memory_space<hbm>> -> memref<2048xi32, #tpu.memory_space<hbm>>
      tpu.wait_dma2 semaphore(%run_scoped3A : memref<!tpu.dma_semaphore, #tpu.memory_space<semaphore_mem>>) src(%dma_wait3A_14 : memref<2048xi32, #tpu.memory_space<hbm>>) dst(%arg5 : memref<2048xi32, #tpu.memory_space<vmem>>)
      tpu.yield
    }) : () -> ()
    %dma_start3A = arith.constant 0 : i32
    %dma_start3A_3 = tpu.memref_slice %arg5[%dma_start3A] : memref<2048xi32, #tpu.memory_space<vmem>> -> memref<128xi32, #tpu.memory_space<vmem>>
    %dma_start3A_4 = arith.constant 0 : i32
    %dma_start3A_5 = arith.constant 0 : i32
    %dma_start3A_6 = tpu.memref_slice %arg2[%dma_start3A_4, %dma_start3A_5] : memref<1024x64xf32, #tpu.memory_space<hbm>> -> memref<1024x64xf32, #tpu.memory_space<hbm>>
    tpu.enqueue_indirect_dma source(%dma_start3A_6 : memref<1024x64xf32, #tpu.memory_space<hbm>>) target(%arg6 : memref<128x64xf32, #tpu.memory_space<vmem>>) offsets(%dma_start3A_3 : memref<128xi32, #tpu.memory_space<vmem>>) semaphore(%arg8 : memref<!tpu.dma_semaphore, #tpu.memory_space<semaphore_mem>>)
    %scan3A = arith.constant 0 : i32
    %scan3A_7 = arith.constant 0 : i32
    %scan3A_8 = arith.constant 8 : i32
    %scan3A_9 = arith.addi %scan3A_7, %scan3A_8 : i32
    %scan3A_10 = arith.constant 1 : i32
    scf.for %scan3A_12 = %scan3A_7 to %scan3A_9 step %scan3A_10  : i32 {
      %mul3A_13 = arith.constant 2 : i32
      %mul3A_14 = arith.muli %mul3A_13, %scan3A_12 : i32
      %add3A_15 = arith.constant 1 : i32
      %add3A_16 = arith.addi %mul3A_14, %add3A_15 : i32
      %mul3A_17 = arith.constant 128 : i32
      %mul3A_18 = arith.muli %add3A_16, %mul3A_17 : i32
      %dma_start3A_19 = tpu.memref_slice %arg5[%mul3A_18] : memref<2048xi32, #tpu.memory_space<vmem>> -> memref<128xi32, #tpu.memory_space<vmem>>
      %dma_start3A_20 = arith.constant 0 : i32
      %dma_start3A_21 = arith.constant 0 : i32
      %dma_start3A_22 = tpu.memref_slice %arg2[%dma_start3A_20, %dma_start3A_21] : memref<1024x64xf32, #tpu.memory_space<hbm>> -> memref<1024x64xf32, #tpu.memory_space<hbm>>
      tpu.enqueue_indirect_dma source(%dma_start3A_22 : memref<1024x64xf32, #tpu.memory_space<hbm>>) target(%arg7 : memref<128x64xf32, #tpu.memory_space<vmem>>) offsets(%dma_start3A_19 : memref<128xi32, #tpu.memory_space<vmem>>) semaphore(%arg9 : memref<!tpu.dma_semaphore, #tpu.memory_space<semaphore_mem>>)
      %mul3A_23 = arith.constant 128 : i32
      %mul3A_24 = arith.muli %mul3A_14, %mul3A_23 : i32
      %dma_wait3A = tpu.memref_slice %arg5[%mul3A_24] : memref<2048xi32, #tpu.memory_space<vmem>> -> memref<128xi32, #tpu.memory_space<vmem>>
      %dma_wait3A_25 = arith.constant 0 : i32
      %dma_wait3A_26 = arith.constant 0 : i32
      %dma_wait3A_27 = tpu.memref_slice %arg2[%dma_wait3A_25, %dma_wait3A_26] : memref<1024x64xf32, #tpu.memory_space<hbm>> -> memref<1024x64xf32, #tpu.memory_space<hbm>>
      tpu.wait_indirect_dma semaphore(%arg8 : memref<!tpu.dma_semaphore, #tpu.memory_space<semaphore_mem>>) src(%dma_wait3A_27 : memref<1024x64xf32, #tpu.memory_space<hbm>>) dst(%arg6 : memref<128x64xf32, #tpu.memory_space<vmem>>)
      %mul3A_28 = arith.constant 128 : i32
      %mul3A_29 = arith.muli %mul3A_14, %mul3A_28 : i32
      %add3A_30 = arith.addi %mul3A_2, %mul3A_29 : i32
      "tpu.region"() ({
        %run_scoped3A = tpu.sem_alloc : memref<!tpu.dma_semaphore, #tpu.memory_space<semaphore_mem>>
        %dma_start3A_44 = arith.constant 0 : i32
        %dma_start3A_45 = tpu.memref_slice %arg4[%add3A_30, %dma_start3A_44] : memref<65536x64xf32, #tpu.memory_space<hbm>> -> memref<128x64xf32, #tpu.memory_space<hbm>>
        %dma_start3A_46 = arith.constant 0 : i32
        %dma_start3A_47 = tpu.memref_slice %arg4[%add3A_30, %dma_start3A_46] : memref<65536x64xf32, #tpu.memory_space<hbm>> -> memref<128x64xf32, #tpu.memory_space<hbm>>
        tpu.enqueue_dma source(%arg6 : memref<128x64xf32, #tpu.memory_space<vmem>>) target(%dma_start3A_47 : memref<128x64xf32, #tpu.memory_space<hbm>>) target_semaphore(%run_scoped3A : memref<!tpu.dma_semaphore, #tpu.memory_space<semaphore_mem>>)
        %dma_wait3A_48 = arith.constant 0 : i32
        %dma_wait3A_49 = tpu.memref_slice %arg4[%add3A_30, %dma_wait3A_48] : memref<65536x64xf32, #tpu.memory_space<hbm>> -> memref<128x64xf32, #tpu.memory_space<hbm>>
        %dma_wait3A_50 = arith.constant 0 : i32
        %dma_wait3A_51 = tpu.memref_slice %arg4[%add3A_30, %dma_wait3A_50] : memref<65536x64xf32, #tpu.memory_space<hbm>> -> memref<128x64xf32, #tpu.memory_space<hbm>>
        tpu.wait_dma2 semaphore(%run_scoped3A : memref<!tpu.dma_semaphore, #tpu.memory_space<semaphore_mem>>) src(%arg6 : memref<128x64xf32, #tpu.memory_space<vmem>>) dst(%dma_wait3A_51 : memref<128x64xf32, #tpu.memory_space<hbm>>)
        tpu.yield
      }) : () -> ()
      %add3A_31 = arith.constant 1 : i32
      %add3A_32 = arith.addi %add3A_16, %add3A_31 : i32
      %lt3A = arith.constant 16 : i32
      %lt3A_33 = arith.cmpi slt, %add3A_32, %lt3A : i32
      %convert_element_type3A = arith.extui %lt3A_33 : i1 to i32
      %cond3A = arith.constant 0 : i32
      %cond3A_34 = arith.cmpi ne, %convert_element_type3A, %cond3A : i32
      scf.if %cond3A_34 {
        %add3A_44 = arith.constant 1 : i32
        %add3A_45 = arith.addi %add3A_16, %add3A_44 : i32
        %mul3A_46 = arith.constant 128 : i32
        %mul3A_47 = arith.muli %add3A_45, %mul3A_46 : i32
        %dma_start3A_48 = tpu.memref_slice %arg5[%mul3A_47] : memref<2048xi32, #tpu.memory_space<vmem>> -> memref<128xi32, #tpu.memory_space<vmem>>
        %dma_start3A_49 = arith.constant 0 : i32
        %dma_start3A_50 = arith.constant 0 : i32
        %dma_start3A_51 = tpu.memref_slice %arg2[%dma_start3A_49, %dma_start3A_50] : memref<1024x64xf32, #tpu.memory_space<hbm>> -> memref<1024x64xf32, #tpu.memory_space<hbm>>
        tpu.enqueue_indirect_dma source(%dma_start3A_51 : memref<1024x64xf32, #tpu.memory_space<hbm>>) target(%arg6 : memref<128x64xf32, #tpu.memory_space<vmem>>) offsets(%dma_start3A_48 : memref<128xi32, #tpu.memory_space<vmem>>) semaphore(%arg8 : memref<!tpu.dma_semaphore, #tpu.memory_space<semaphore_mem>>)
      } else {
      }
      %mul3A_35 = arith.constant 128 : i32
      %mul3A_36 = arith.muli %add3A_16, %mul3A_35 : i32
      %dma_wait3A_37 = tpu.memref_slice %arg5[%mul3A_36] : memref<2048xi32, #tpu.memory_space<vmem>> -> memref<128xi32, #tpu.memory_space<vmem>>
      %dma_wait3A_38 = arith.constant 0 : i32
      %dma_wait3A_39 = arith.constant 0 : i32
      %dma_wait3A_40 = tpu.memref_slice %arg2[%dma_wait3A_38, %dma_wait3A_39] : memref<1024x64xf32, #tpu.memory_space<hbm>> -> memref<1024x64xf32, #tpu.memory_space<hbm>>
      tpu.wait_indirect_dma semaphore(%arg9 : memref<!tpu.dma_semaphore, #tpu.memory_space<semaphore_mem>>) src(%dma_wait3A_40 : memref<1024x64xf32, #tpu.memory_space<hbm>>) dst(%arg7 : memref<128x64xf32, #tpu.memory_space<vmem>>)
      %mul3A_41 = arith.constant 128 : i32
      %mul3A_42 = arith.muli %add3A_16, %mul3A_41 : i32
      %add3A_43 = arith.addi %mul3A_2, %mul3A_42 : i32
      "tpu.region"() ({
        %run_scoped3A = tpu.sem_alloc : memref<!tpu.dma_semaphore, #tpu.memory_space<semaphore_mem>>
        %dma_start3A_44 = arith.constant 0 : i32
        %dma_start3A_45 = tpu.memref_slice %arg4[%add3A_43, %dma_start3A_44] : memref<65536x64xf32, #tpu.memory_space<hbm>> -> memref<128x64xf32, #tpu.memory_space<hbm>>
        %dma_start3A_46 = arith.constant 0 : i32
        %dma_start3A_47 = tpu.memref_slice %arg4[%add3A_43, %dma_start3A_46] : memref<65536x64xf32, #tpu.memory_space<hbm>> -> memref<128x64xf32, #tpu.memory_space<hbm>>
        tpu.enqueue_dma source(%arg7 : memref<128x64xf32, #tpu.memory_space<vmem>>) target(%dma_start3A_47 : memref<128x64xf32, #tpu.memory_space<hbm>>) target_semaphore(%run_scoped3A : memref<!tpu.dma_semaphore, #tpu.memory_space<semaphore_mem>>)
        %dma_wait3A_48 = arith.constant 0 : i32
        %dma_wait3A_49 = tpu.memref_slice %arg4[%add3A_43, %dma_wait3A_48] : memref<65536x64xf32, #tpu.memory_space<hbm>> -> memref<128x64xf32, #tpu.memory_space<hbm>>
        %dma_wait3A_50 = arith.constant 0 : i32
        %dma_wait3A_51 = tpu.memref_slice %arg4[%add3A_43, %dma_wait3A_50] : memref<65536x64xf32, #tpu.memory_space<hbm>> -> memref<128x64xf32, #tpu.memory_space<hbm>>
        tpu.wait_dma2 semaphore(%run_scoped3A : memref<!tpu.dma_semaphore, #tpu.memory_space<semaphore_mem>>) src(%arg7 : memref<128x64xf32, #tpu.memory_space<vmem>>) dst(%dma_wait3A_51 : memref<128x64xf32, #tpu.memory_space<hbm>>)
        tpu.yield
      }) : () -> ()
    }
    %scan3A_11 = arith.constant 8 : i32
    return
  }
}

module attributes {stable_mosaic.version = 14 : i64} {
  func.func @_argmin_body(%arg0: i32, %arg1: memref<1x1x64x512xf32, #tpu.memory_space<vmem>>, %arg2: memref<1024x65xf32, #tpu.memory_space<vmem>>, %arg3: memref<1024x512xf32, #tpu.memory_space<vmem>>, %arg4: memref<1x1x512xf32, #tpu.memory_space<vmem>>, %arg5: memref<512xi32, #tpu.memory_space<vmem>>, %arg6: memref<512xf32, #tpu.memory_space<vmem>>, %arg7: memref<1x1x1xf32, #tpu.memory_space<smem>>) attributes {dimension_semantics = [#tpu.dimension_semantics<arbitrary>], iteration_bounds = array<i64: 128>, scalar_prefetch = 0 : i64, scratch_operands = 0 : i64, tpu.core_type = #tpu.core_type<tc>, window_params = [{transform_indices = @transform_0, window_bounds = array<i64: 1, 1, 64, 512>}, {pipeline_mode = #tpu.pipeline_mode<synchronous>, transform_indices = @transform_1, window_bounds = array<i64: 1024, 65>}, {pipeline_mode = #tpu.pipeline_mode<synchronous>, transform_indices = @transform_2, window_bounds = array<i64: 1024, 512>}, {transform_indices = @transform_3, window_bounds = array<i64: 1, 1, 512>}, {transform_indices = @transform_4, window_bounds = array<i64: 512>}, {transform_indices = @transform_5, window_bounds = array<i64: 512>}, {transform_indices = @transform_6, window_bounds = array<i64: 1, 1, 1>}]} {
    %get3A = arith.constant 0 : index
    %get3A_0 = arith.constant 0 : index
    %get3A_1 = arith.constant 0 : index
    %get3A_2 = arith.constant 0 : index
    %get3A_3 = vector.load %arg1[%get3A, %get3A_0, %get3A_1, %get3A_2] : memref<1x1x64x512xf32, #tpu.memory_space<vmem>>, vector<1x1x64x512xf32>
    %get3A_4 = vector.shape_cast %get3A_3 : vector<1x1x64x512xf32> to vector<64x512xf32>
    %broadcast_in_dim3A = arith.constant 1.000000e+00 : f32
    %broadcast_in_dim3A_5 = vector.broadcast %broadcast_in_dim3A : f32 to vector<1x512xf32>
    %concatenate3A = tpu.concatenate %get3A_4, %broadcast_in_dim3A_5 in 0 : vector<64x512xf32>, vector<1x512xf32> -> vector<65x512xf32>
    %get3A_6 = arith.constant 0 : index
    %get3A_7 = arith.constant 0 : index
    %get3A_8 = vector.load %arg2[%get3A_6, %get3A_7] : memref<1024x65xf32, #tpu.memory_space<vmem>>, vector<1024x65xf32>
    %dot_general3A = arith.constant dense<0.000000e+00> : vector<1024x512xf32>
    %dot_general3A_9 = tpu.matmul %get3A_8, %concatenate3A, %dot_general3A {dimension_numbers = #tpu.dot_dimension_numbers<[1], [0], [0], [1], [0, 0, 1, 1], [], []>, transpose_lhs_hint = false} : vector<1024x65xf32>, vector<65x512xf32>, vector<1024x512xf32> -> vector<1024x512xf32>
    %reduce_min3A = arith.constant dense<0x7F800000> : vector<512xf32>
    %reduce_min3A_10 = vector.multi_reduction <minimumf>, %dot_general3A_9, %reduce_min3A [0] : vector<1024x512xf32> to vector<512xf32>
    %broadcast_in_dim3A_11 = vector.shape_cast %reduce_min3A_10 : vector<512xf32> to vector<1x512xf32>
    %eq3A = vector.broadcast %broadcast_in_dim3A_11 : vector<1x512xf32> to vector<1024x512xf32>
    %eq3A_12 = arith.cmpf oeq, %dot_general3A_9, %eq3A : vector<1024x512xf32>
    %get3A_13 = arith.constant 0 : index
    %get3A_14 = arith.constant 0 : index
    %get3A_15 = vector.load %arg3[%get3A_13, %get3A_14] : memref<1024x512xf32, #tpu.memory_space<vmem>>, vector<1024x512xf32>
    %jit3A = arith.constant 0.000000e+00 : f32
    %broadcast_in_dim3A_16 = vector.broadcast %jit3A : f32 to vector<1024x512xf32>
    %select_n3A = arith.select %eq3A_12, %get3A_15, %broadcast_in_dim3A_16 : vector<1024x512xi1>, vector<1024x512xf32>
    %reduce_sum3A = arith.constant dense<0.000000e+00> : vector<512xf32>
    %reduce_sum3A_17 = vector.multi_reduction <add>, %select_n3A, %reduce_sum3A [0] : vector<1024x512xf32> to vector<512xf32>
    %mul3A = arith.mulf %get3A_4, %get3A_4 : vector<64x512xf32>
    %reduce_sum3A_18 = arith.constant dense<0.000000e+00> : vector<512xf32>
    %reduce_sum3A_19 = vector.multi_reduction <add>, %mul3A, %reduce_sum3A_18 [0] : vector<64x512xf32> to vector<512xf32>
    %broadcast_in_dim3A_20 = vector.shape_cast %reduce_sum3A_19 : vector<512xf32> to vector<1x512xf32>
    %squeeze3A = vector.shape_cast %broadcast_in_dim3A_20 : vector<1x512xf32> to vector<512xf32>
    %squeeze3A_21 = vector.shape_cast %broadcast_in_dim3A_11 : vector<1x512xf32> to vector<512xf32>
    %add3A = arith.addf %squeeze3A, %squeeze3A_21 : vector<512xf32>
    %max3A = arith.constant 0.000000e+00 : f32
    %max3A_22 = vector.broadcast %max3A : f32 to vector<512xf32>
    %max3A_23 = arith.maximumf %add3A, %max3A_22 : vector<512xf32>
    %convert_element_type3A = arith.fptosi %reduce_sum3A_17 : vector<512xf32> to vector<512xi32>
    %swap3A = arith.constant 0 : index
    %swap3A_24 = vector.load %arg5[%swap3A] : memref<512xi32, #tpu.memory_space<vmem>>, vector<512xi32>
    tpu.vector_store %arg5[%swap3A], %convert_element_type3A {strides = array<i32>} : memref<512xi32, #tpu.memory_space<vmem>>, vector<512xi32>,
    %swap3A_25 = arith.constant 0 : index
    %swap3A_26 = vector.load %arg6[%swap3A_25] : memref<512xf32, #tpu.memory_space<vmem>>, vector<512xf32>
    tpu.vector_store %arg6[%swap3A_25], %max3A_23 {strides = array<i32>} : memref<512xf32, #tpu.memory_space<vmem>>, vector<512xf32>,
    %get3A_27 = arith.constant 0 : index
    %get3A_28 = arith.constant 0 : index
    %get3A_29 = arith.constant 0 : index
    %get3A_30 = vector.load %arg4[%get3A_27, %get3A_28, %get3A_29] : memref<1x1x512xf32, #tpu.memory_space<vmem>>, vector<1x1x512xf32>
    %get3A_31 = vector.shape_cast %get3A_30 : vector<1x1x512xf32> to vector<512xf32>
    %mul3A_32 = arith.mulf %get3A_31, %max3A_23 : vector<512xf32>
    %reduce_sum3A_33 = vector.shape_cast %mul3A_32 : vector<512xf32> to vector<1x512xf32>
    %reduce_sum3A_34 = arith.constant dense<0.000000e+00> : vector<1xf32>
    %reduce_sum3A_35 = vector.multi_reduction <add>, %reduce_sum3A_33, %reduce_sum3A_34 [1] : vector<1x512xf32> to vector<1xf32>
    %reduce_sum3A_36 = vector.shape_cast %reduce_sum3A_35 : vector<1xf32> to vector<1x1xf32>
    %reduce_sum3A_37 = vector.extract %reduce_sum3A_36[0, 0] : f32 from vector<1x1xf32>
    %swap3A_38 = arith.constant 0 : index
    %swap3A_39 = arith.constant 0 : index
    %swap3A_40 = arith.constant 0 : index
    %swap3A_41 = memref.load %arg7[%swap3A_38, %swap3A_39, %swap3A_40] : memref<1x1x1xf32, #tpu.memory_space<smem>>
    memref.store %reduce_sum3A_37, %arg7[%swap3A_38, %swap3A_39, %swap3A_40] : memref<1x1x1xf32, #tpu.memory_space<smem>>
    return
  }
  func.func @transform_0(%arg0: i32) -> (i32, i32, i32, i32) {
    %jit3A = arith.constant 32 : i32
    %div3A = arith.divsi %arg0, %jit3A : i32
    %sign3A = arith.constant 0 : i32
    %sign3A_0 = arith.cmpi sgt, %arg0, %sign3A : i32
    %sign3A_1 = arith.extui %sign3A_0 : i1 to i32
    %sign3A_2 = arith.constant 0 : i32
    %sign3A_3 = arith.cmpi slt, %arg0, %sign3A_2 : i32
    %sign3A_4 = arith.extui %sign3A_3 : i1 to i32
    %sign3A_5 = arith.subi %sign3A_1, %sign3A_4 : i32
    %sign3A_6 = arith.constant 0 : i32
    %sign3A_7 = arith.cmpi sgt, %jit3A, %sign3A_6 : i32
    %sign3A_8 = arith.extui %sign3A_7 : i1 to i32
    %sign3A_9 = arith.constant 0 : i32
    %sign3A_10 = arith.cmpi slt, %jit3A, %sign3A_9 : i32
    %sign3A_11 = arith.extui %sign3A_10 : i1 to i32
    %sign3A_12 = arith.subi %sign3A_8, %sign3A_11 : i32
    %ne3A = arith.cmpi ne, %sign3A_5, %sign3A_12 : i32
    %rem3A = arith.remsi %arg0, %jit3A : i32
    %ne3A_13 = arith.constant 0 : i32
    %ne3A_14 = arith.cmpi ne, %rem3A, %ne3A_13 : i32
    %and3A = arith.andi %ne3A, %ne3A_14 : i1
    %sub3A = arith.constant 1 : i32
    %sub3A_15 = arith.subi %div3A, %sub3A : i32
    %select_n3A = arith.select %and3A, %sub3A_15, %div3A : i32
    %jit3A_16 = arith.constant 4 : i32
    %div3A_17 = arith.divsi %arg0, %jit3A_16 : i32
    %sign3A_18 = arith.constant 0 : i32
    %sign3A_19 = arith.cmpi sgt, %arg0, %sign3A_18 : i32
    %sign3A_20 = arith.extui %sign3A_19 : i1 to i32
    %sign3A_21 = arith.constant 0 : i32
    %sign3A_22 = arith.cmpi slt, %arg0, %sign3A_21 : i32
    %sign3A_23 = arith.extui %sign3A_22 : i1 to i32
    %sign3A_24 = arith.subi %sign3A_20, %sign3A_23 : i32
    %sign3A_25 = arith.constant 0 : i32
    %sign3A_26 = arith.cmpi sgt, %jit3A_16, %sign3A_25 : i32
    %sign3A_27 = arith.extui %sign3A_26 : i1 to i32
    %sign3A_28 = arith.constant 0 : i32
    %sign3A_29 = arith.cmpi slt, %jit3A_16, %sign3A_28 : i32
    %sign3A_30 = arith.extui %sign3A_29 : i1 to i32
    %sign3A_31 = arith.subi %sign3A_27, %sign3A_30 : i32
    %ne3A_32 = arith.cmpi ne, %sign3A_24, %sign3A_31 : i32
    %rem3A_33 = arith.remsi %arg0, %jit3A_16 : i32
    %ne3A_34 = arith.constant 0 : i32
    %ne3A_35 = arith.cmpi ne, %rem3A_33, %ne3A_34 : i32
    %and3A_36 = arith.andi %ne3A_32, %ne3A_35 : i1
    %sub3A_37 = arith.constant 1 : i32
    %sub3A_38 = arith.subi %div3A_17, %sub3A_37 : i32
    %select_n3A_39 = arith.select %and3A_36, %sub3A_38, %div3A_17 : i32
    %jit3A_40 = arith.constant 8 : i32
    %eq3A = arith.constant 0 : i32
    %eq3A_41 = arith.cmpi eq, %jit3A_40, %eq3A : i32
    %jit3A_42 = arith.constant 1 : i32
    %select_n3A_43 = arith.select %eq3A_41, %jit3A_42, %jit3A_40 : i32
    %rem3A_44 = arith.remsi %select_n3A_39, %select_n3A_43 : i32
    %ne3A_45 = arith.constant 0 : i32
    %ne3A_46 = arith.cmpi ne, %rem3A_44, %ne3A_45 : i32
    %lt3A = arith.constant 0 : i32
    %lt3A_47 = arith.cmpi slt, %rem3A_44, %lt3A : i32
    %lt3A_48 = arith.constant 0 : i32
    %lt3A_49 = arith.cmpi slt, %select_n3A_43, %lt3A_48 : i32
    %ne3A_50 = arith.xori %lt3A_47, %lt3A_49 : i1
    %and3A_51 = arith.andi %ne3A_50, %ne3A_46 : i1
    %add3A = arith.addi %rem3A_44, %select_n3A_43 : i32
    %select_n3A_52 = arith.select %and3A_51, %add3A, %rem3A_44 : i32
    %add3A_53 = arith.constant 0 : i32
    %add3A_54 = arith.addi %add3A_53, %select_n3A_52 : i32
    %jit3A_55 = arith.constant 4 : i32
    %eq3A_56 = arith.constant 0 : i32
    %eq3A_57 = arith.cmpi eq, %jit3A_55, %eq3A_56 : i32
    %jit3A_58 = arith.constant 1 : i32
    %select_n3A_59 = arith.select %eq3A_57, %jit3A_58, %jit3A_55 : i32
    %rem3A_60 = arith.remsi %arg0, %select_n3A_59 : i32
    %ne3A_61 = arith.constant 0 : i32
    %ne3A_62 = arith.cmpi ne, %rem3A_60, %ne3A_61 : i32
    %lt3A_63 = arith.constant 0 : i32
    %lt3A_64 = arith.cmpi slt, %rem3A_60, %lt3A_63 : i32
    %lt3A_65 = arith.constant 0 : i32
    %lt3A_66 = arith.cmpi slt, %select_n3A_59, %lt3A_65 : i32
    %ne3A_67 = arith.xori %lt3A_64, %lt3A_66 : i1
    %and3A_68 = arith.andi %ne3A_67, %ne3A_62 : i1
    %add3A_69 = arith.addi %rem3A_60, %select_n3A_59 : i32
    %select_n3A_70 = arith.select %and3A_68, %add3A_69, %rem3A_60 : i32
    %c0_i32 = arith.constant 0 : i32
    %c0_i32_71 = arith.constant 0 : i32
    return %select_n3A, %add3A_54, %c0_i32, %select_n3A_70 : i32, i32, i32, i32
  }
  func.func @transform_1(%arg0: i32) -> (i32, i32) {
    %c0_i32 = arith.constant 0 : i32
    %c0_i32_0 = arith.constant 0 : i32
    %c0_i32_1 = arith.constant 0 : i32
    return %c0_i32, %c0_i32_0 : i32, i32
  }
  func.func @transform_2(%arg0: i32) -> (i32, i32) {
    %c0_i32 = arith.constant 0 : i32
    %c0_i32_0 = arith.constant 0 : i32
    %c0_i32_1 = arith.constant 0 : i32
    return %c0_i32, %c0_i32_0 : i32, i32
  }
  func.func @transform_3(%arg0: i32) -> (i32, i32, i32) {
    %jit3A = arith.constant 32 : i32
    %div3A = arith.divsi %arg0, %jit3A : i32
    %sign3A = arith.constant 0 : i32
    %sign3A_0 = arith.cmpi sgt, %arg0, %sign3A : i32
    %sign3A_1 = arith.extui %sign3A_0 : i1 to i32
    %sign3A_2 = arith.constant 0 : i32
    %sign3A_3 = arith.cmpi slt, %arg0, %sign3A_2 : i32
    %sign3A_4 = arith.extui %sign3A_3 : i1 to i32
    %sign3A_5 = arith.subi %sign3A_1, %sign3A_4 : i32
    %sign3A_6 = arith.constant 0 : i32
    %sign3A_7 = arith.cmpi sgt, %jit3A, %sign3A_6 : i32
    %sign3A_8 = arith.extui %sign3A_7 : i1 to i32
    %sign3A_9 = arith.constant 0 : i32
    %sign3A_10 = arith.cmpi slt, %jit3A, %sign3A_9 : i32
    %sign3A_11 = arith.extui %sign3A_10 : i1 to i32
    %sign3A_12 = arith.subi %sign3A_8, %sign3A_11 : i32
    %ne3A = arith.cmpi ne, %sign3A_5, %sign3A_12 : i32
    %rem3A = arith.remsi %arg0, %jit3A : i32
    %ne3A_13 = arith.constant 0 : i32
    %ne3A_14 = arith.cmpi ne, %rem3A, %ne3A_13 : i32
    %and3A = arith.andi %ne3A, %ne3A_14 : i1
    %sub3A = arith.constant 1 : i32
    %sub3A_15 = arith.subi %div3A, %sub3A : i32
    %select_n3A = arith.select %and3A, %sub3A_15, %div3A : i32
    %mul3A = arith.constant 4 : i32
    %mul3A_16 = arith.muli %select_n3A, %mul3A : i32
    %jit3A_17 = arith.constant 4 : i32
    %eq3A = arith.constant 0 : i32
    %eq3A_18 = arith.cmpi eq, %jit3A_17, %eq3A : i32
    %jit3A_19 = arith.constant 1 : i32
    %select_n3A_20 = arith.select %eq3A_18, %jit3A_19, %jit3A_17 : i32
    %rem3A_21 = arith.remsi %arg0, %select_n3A_20 : i32
    %ne3A_22 = arith.constant 0 : i32
    %ne3A_23 = arith.cmpi ne, %rem3A_21, %ne3A_22 : i32
    %lt3A = arith.constant 0 : i32
    %lt3A_24 = arith.cmpi slt, %rem3A_21, %lt3A : i32
    %lt3A_25 = arith.constant 0 : i32
    %lt3A_26 = arith.cmpi slt, %select_n3A_20, %lt3A_25 : i32
    %ne3A_27 = arith.xori %lt3A_24, %lt3A_26 : i1
    %and3A_28 = arith.andi %ne3A_27, %ne3A_23 : i1
    %add3A = arith.addi %rem3A_21, %select_n3A_20 : i32
    %select_n3A_29 = arith.select %and3A_28, %add3A, %rem3A_21 : i32
    %add3A_30 = arith.addi %mul3A_16, %select_n3A_29 : i32
    %c0_i32 = arith.constant 0 : i32
    %c0_i32_31 = arith.constant 0 : i32
    %c0_i32_32 = arith.constant 0 : i32
    return %add3A_30, %c0_i32, %c0_i32_31 : i32, i32, i32
  }
  func.func @transform_4(%arg0: i32) -> i32 {
    %c0_i32 = arith.constant 0 : i32
    return %arg0 : i32
  }
  func.func @transform_5(%arg0: i32) -> i32 {
    %c0_i32 = arith.constant 0 : i32
    return %arg0 : i32
  }
  func.func @transform_6(%arg0: i32) -> (i32, i32, i32) {
    %c0_i32 = arith.constant 0 : i32
    %c0_i32_0 = arith.constant 0 : i32
    %c0_i32_1 = arith.constant 0 : i32
    return %arg0, %c0_i32, %c0_i32_0 : i32, i32, i32
  }
}

module attributes {stable_mosaic.version = 14 : i64} {
  func.func @_argmin_body(%arg0: i32, %arg1: memref<1x1x64x512xf32, #tpu.memory_space<vmem>>, %arg2: memref<1024x65xf32, #tpu.memory_space<vmem>>, %arg3: memref<1024x512xf32, #tpu.memory_space<vmem>>, %arg4: memref<1x1x512xf32, #tpu.memory_space<vmem>>, %arg5: memref<512xi32, #tpu.memory_space<vmem>>, %arg6: memref<512xf32, #tpu.memory_space<vmem>>, %arg7: memref<1x1x1xf32, #tpu.memory_space<smem>>) attributes {dimension_semantics = [#tpu.dimension_semantics<arbitrary>], iteration_bounds = array<i64: 128>, scalar_prefetch = 0 : i64, scratch_operands = 0 : i64, tpu.core_type = #tpu.core_type<tc>, window_params = [{transform_indices = @transform_0, window_bounds = array<i64: 1, 1, 64, 512>}, {pipeline_mode = #tpu.pipeline_mode<synchronous>, transform_indices = @transform_1, window_bounds = array<i64: 1024, 65>}, {pipeline_mode = #tpu.pipeline_mode<synchronous>, transform_indices = @transform_2, window_bounds = array<i64: 1024, 512>}, {transform_indices = @transform_3, window_bounds = array<i64: 1, 1, 512>}, {transform_indices = @transform_4, window_bounds = array<i64: 512>}, {transform_indices = @transform_5, window_bounds = array<i64: 512>}, {transform_indices = @transform_6, window_bounds = array<i64: 1, 1, 1>}]} {
    %get3A = arith.constant 0 : index
    %get3A_0 = arith.constant 0 : index
    %get3A_1 = arith.constant 0 : index
    %get3A_2 = arith.constant 0 : index
    %get3A_3 = vector.load %arg1[%get3A, %get3A_0, %get3A_1, %get3A_2] : memref<1x1x64x512xf32, #tpu.memory_space<vmem>>, vector<1x1x64x512xf32>
    %get3A_4 = vector.shape_cast %get3A_3 : vector<1x1x64x512xf32> to vector<64x512xf32>
    %broadcast_in_dim3A = arith.constant 1.000000e+00 : f32
    %broadcast_in_dim3A_5 = vector.broadcast %broadcast_in_dim3A : f32 to vector<1x512xf32>
    %concatenate3A = tpu.concatenate %get3A_4, %broadcast_in_dim3A_5 in 0 : vector<64x512xf32>, vector<1x512xf32> -> vector<65x512xf32>
    %get3A_6 = arith.constant 0 : index
    %get3A_7 = arith.constant 0 : index
    %get3A_8 = vector.load %arg2[%get3A_6, %get3A_7] : memref<1024x65xf32, #tpu.memory_space<vmem>>, vector<1024x65xf32>
    %dot_general3A = arith.constant dense<0.000000e+00> : vector<1024x512xf32>
    %dot_general3A_9 = tpu.matmul %get3A_8, %concatenate3A, %dot_general3A {dimension_numbers = #tpu.dot_dimension_numbers<[1], [0], [0], [1], [0, 0, 1, 1], [], []>, transpose_lhs_hint = false} : vector<1024x65xf32>, vector<65x512xf32>, vector<1024x512xf32> -> vector<1024x512xf32>
    %reduce_min3A = arith.constant dense<0x7F800000> : vector<512xf32>
    %reduce_min3A_10 = vector.multi_reduction <minimumf>, %dot_general3A_9, %reduce_min3A [0] : vector<1024x512xf32> to vector<512xf32>
    %broadcast_in_dim3A_11 = vector.shape_cast %reduce_min3A_10 : vector<512xf32> to vector<1x512xf32>
    %eq3A = vector.broadcast %broadcast_in_dim3A_11 : vector<1x512xf32> to vector<1024x512xf32>
    %eq3A_12 = arith.cmpf oeq, %dot_general3A_9, %eq3A : vector<1024x512xf32>
    %get3A_13 = arith.constant 0 : index
    %get3A_14 = arith.constant 0 : index
    %get3A_15 = vector.load %arg3[%get3A_13, %get3A_14] : memref<1024x512xf32, #tpu.memory_space<vmem>>, vector<1024x512xf32>
    %jit3A = arith.constant 0.000000e+00 : f32
    %broadcast_in_dim3A_16 = vector.broadcast %jit3A : f32 to vector<1024x512xf32>
    %select_n3A = arith.select %eq3A_12, %get3A_15, %broadcast_in_dim3A_16 : vector<1024x512xi1>, vector<1024x512xf32>
    %reduce_sum3A = arith.constant dense<0.000000e+00> : vector<512xf32>
    %reduce_sum3A_17 = vector.multi_reduction <add>, %select_n3A, %reduce_sum3A [0] : vector<1024x512xf32> to vector<512xf32>
    %mul3A = arith.mulf %get3A_4, %get3A_4 : vector<64x512xf32>
    %reduce_sum3A_18 = arith.constant dense<0.000000e+00> : vector<512xf32>
    %reduce_sum3A_19 = vector.multi_reduction <add>, %mul3A, %reduce_sum3A_18 [0] : vector<64x512xf32> to vector<512xf32>
    %broadcast_in_dim3A_20 = vector.shape_cast %reduce_sum3A_19 : vector<512xf32> to vector<1x512xf32>
    %squeeze3A = vector.shape_cast %broadcast_in_dim3A_20 : vector<1x512xf32> to vector<512xf32>
    %squeeze3A_21 = vector.shape_cast %broadcast_in_dim3A_11 : vector<1x512xf32> to vector<512xf32>
    %add3A = arith.addf %squeeze3A, %squeeze3A_21 : vector<512xf32>
    %max3A = arith.constant 0.000000e+00 : f32
    %max3A_22 = vector.broadcast %max3A : f32 to vector<512xf32>
    %max3A_23 = arith.maximumf %add3A, %max3A_22 : vector<512xf32>
    %convert_element_type3A = arith.fptosi %reduce_sum3A_17 : vector<512xf32> to vector<512xi32>
    %swap3A = arith.constant 0 : index
    %swap3A_24 = vector.load %arg5[%swap3A] : memref<512xi32, #tpu.memory_space<vmem>>, vector<512xi32>
    tpu.vector_store %arg5[%swap3A], %convert_element_type3A {strides = array<i32>} : memref<512xi32, #tpu.memory_space<vmem>>, vector<512xi32>,
    %swap3A_25 = arith.constant 0 : index
    %swap3A_26 = vector.load %arg6[%swap3A_25] : memref<512xf32, #tpu.memory_space<vmem>>, vector<512xf32>
    tpu.vector_store %arg6[%swap3A_25], %max3A_23 {strides = array<i32>} : memref<512xf32, #tpu.memory_space<vmem>>, vector<512xf32>,
    %get3A_27 = arith.constant 0 : index
    %get3A_28 = arith.constant 0 : index
    %get3A_29 = arith.constant 0 : index
    %get3A_30 = vector.load %arg4[%get3A_27, %get3A_28, %get3A_29] : memref<1x1x512xf32, #tpu.memory_space<vmem>>, vector<1x1x512xf32>
    %get3A_31 = vector.shape_cast %get3A_30 : vector<1x1x512xf32> to vector<512xf32>
    %mul3A_32 = arith.mulf %get3A_31, %max3A_23 : vector<512xf32>
    %reduce_sum3A_33 = vector.shape_cast %mul3A_32 : vector<512xf32> to vector<1x512xf32>
    %reduce_sum3A_34 = arith.constant dense<0.000000e+00> : vector<1xf32>
    %reduce_sum3A_35 = vector.multi_reduction <add>, %reduce_sum3A_33, %reduce_sum3A_34 [1] : vector<1x512xf32> to vector<1xf32>
    %reduce_sum3A_36 = vector.shape_cast %reduce_sum3A_35 : vector<1xf32> to vector<1x1xf32>
    %reduce_sum3A_37 = vector.extract %reduce_sum3A_36[0, 0] : f32 from vector<1x1xf32>
    %swap3A_38 = arith.constant 0 : index
    %swap3A_39 = arith.constant 0 : index
    %swap3A_40 = arith.constant 0 : index
    %swap3A_41 = memref.load %arg7[%swap3A_38, %swap3A_39, %swap3A_40] : memref<1x1x1xf32, #tpu.memory_space<smem>>
    memref.store %reduce_sum3A_37, %arg7[%swap3A_38, %swap3A_39, %swap3A_40] : memref<1x1x1xf32, #tpu.memory_space<smem>>
    return
  }
  func.func @transform_0(%arg0: i32) -> (i32, i32, i32, i32) {
    %jit3A = arith.constant 32 : i32
    %div3A = arith.divsi %arg0, %jit3A : i32
    %sign3A = arith.constant 0 : i32
    %sign3A_0 = arith.cmpi sgt, %arg0, %sign3A : i32
    %sign3A_1 = arith.extui %sign3A_0 : i1 to i32
    %sign3A_2 = arith.constant 0 : i32
    %sign3A_3 = arith.cmpi slt, %arg0, %sign3A_2 : i32
    %sign3A_4 = arith.extui %sign3A_3 : i1 to i32
    %sign3A_5 = arith.subi %sign3A_1, %sign3A_4 : i32
    %sign3A_6 = arith.constant 0 : i32
    %sign3A_7 = arith.cmpi sgt, %jit3A, %sign3A_6 : i32
    %sign3A_8 = arith.extui %sign3A_7 : i1 to i32
    %sign3A_9 = arith.constant 0 : i32
    %sign3A_10 = arith.cmpi slt, %jit3A, %sign3A_9 : i32
    %sign3A_11 = arith.extui %sign3A_10 : i1 to i32
    %sign3A_12 = arith.subi %sign3A_8, %sign3A_11 : i32
    %ne3A = arith.cmpi ne, %sign3A_5, %sign3A_12 : i32
    %rem3A = arith.remsi %arg0, %jit3A : i32
    %ne3A_13 = arith.constant 0 : i32
    %ne3A_14 = arith.cmpi ne, %rem3A, %ne3A_13 : i32
    %and3A = arith.andi %ne3A, %ne3A_14 : i1
    %sub3A = arith.constant 1 : i32
    %sub3A_15 = arith.subi %div3A, %sub3A : i32
    %select_n3A = arith.select %and3A, %sub3A_15, %div3A : i32
    %jit3A_16 = arith.constant 4 : i32
    %div3A_17 = arith.divsi %arg0, %jit3A_16 : i32
    %sign3A_18 = arith.constant 0 : i32
    %sign3A_19 = arith.cmpi sgt, %arg0, %sign3A_18 : i32
    %sign3A_20 = arith.extui %sign3A_19 : i1 to i32
    %sign3A_21 = arith.constant 0 : i32
    %sign3A_22 = arith.cmpi slt, %arg0, %sign3A_21 : i32
    %sign3A_23 = arith.extui %sign3A_22 : i1 to i32
    %sign3A_24 = arith.subi %sign3A_20, %sign3A_23 : i32
    %sign3A_25 = arith.constant 0 : i32
    %sign3A_26 = arith.cmpi sgt, %jit3A_16, %sign3A_25 : i32
    %sign3A_27 = arith.extui %sign3A_26 : i1 to i32
    %sign3A_28 = arith.constant 0 : i32
    %sign3A_29 = arith.cmpi slt, %jit3A_16, %sign3A_28 : i32
    %sign3A_30 = arith.extui %sign3A_29 : i1 to i32
    %sign3A_31 = arith.subi %sign3A_27, %sign3A_30 : i32
    %ne3A_32 = arith.cmpi ne, %sign3A_24, %sign3A_31 : i32
    %rem3A_33 = arith.remsi %arg0, %jit3A_16 : i32
    %ne3A_34 = arith.constant 0 : i32
    %ne3A_35 = arith.cmpi ne, %rem3A_33, %ne3A_34 : i32
    %and3A_36 = arith.andi %ne3A_32, %ne3A_35 : i1
    %sub3A_37 = arith.constant 1 : i32
    %sub3A_38 = arith.subi %div3A_17, %sub3A_37 : i32
    %select_n3A_39 = arith.select %and3A_36, %sub3A_38, %div3A_17 : i32
    %jit3A_40 = arith.constant 8 : i32
    %eq3A = arith.constant 0 : i32
    %eq3A_41 = arith.cmpi eq, %jit3A_40, %eq3A : i32
    %jit3A_42 = arith.constant 1 : i32
    %select_n3A_43 = arith.select %eq3A_41, %jit3A_42, %jit3A_40 : i32
    %rem3A_44 = arith.remsi %select_n3A_39, %select_n3A_43 : i32
    %ne3A_45 = arith.constant 0 : i32
    %ne3A_46 = arith.cmpi ne, %rem3A_44, %ne3A_45 : i32
    %lt3A = arith.constant 0 : i32
    %lt3A_47 = arith.cmpi slt, %rem3A_44, %lt3A : i32
    %lt3A_48 = arith.constant 0 : i32
    %lt3A_49 = arith.cmpi slt, %select_n3A_43, %lt3A_48 : i32
    %ne3A_50 = arith.xori %lt3A_47, %lt3A_49 : i1
    %and3A_51 = arith.andi %ne3A_50, %ne3A_46 : i1
    %add3A = arith.addi %rem3A_44, %select_n3A_43 : i32
    %select_n3A_52 = arith.select %and3A_51, %add3A, %rem3A_44 : i32
    %add3A_53 = arith.constant 8 : i32
    %add3A_54 = arith.addi %add3A_53, %select_n3A_52 : i32
    %jit3A_55 = arith.constant 4 : i32
    %eq3A_56 = arith.constant 0 : i32
    %eq3A_57 = arith.cmpi eq, %jit3A_55, %eq3A_56 : i32
    %jit3A_58 = arith.constant 1 : i32
    %select_n3A_59 = arith.select %eq3A_57, %jit3A_58, %jit3A_55 : i32
    %rem3A_60 = arith.remsi %arg0, %select_n3A_59 : i32
    %ne3A_61 = arith.constant 0 : i32
    %ne3A_62 = arith.cmpi ne, %rem3A_60, %ne3A_61 : i32
    %lt3A_63 = arith.constant 0 : i32
    %lt3A_64 = arith.cmpi slt, %rem3A_60, %lt3A_63 : i32
    %lt3A_65 = arith.constant 0 : i32
    %lt3A_66 = arith.cmpi slt, %select_n3A_59, %lt3A_65 : i32
    %ne3A_67 = arith.xori %lt3A_64, %lt3A_66 : i1
    %and3A_68 = arith.andi %ne3A_67, %ne3A_62 : i1
    %add3A_69 = arith.addi %rem3A_60, %select_n3A_59 : i32
    %select_n3A_70 = arith.select %and3A_68, %add3A_69, %rem3A_60 : i32
    %c0_i32 = arith.constant 0 : i32
    %c0_i32_71 = arith.constant 0 : i32
    return %select_n3A, %add3A_54, %c0_i32, %select_n3A_70 : i32, i32, i32, i32
  }
  func.func @transform_1(%arg0: i32) -> (i32, i32) {
    %c0_i32 = arith.constant 0 : i32
    %c0_i32_0 = arith.constant 0 : i32
    %c0_i32_1 = arith.constant 0 : i32
    return %c0_i32, %c0_i32_0 : i32, i32
  }
  func.func @transform_2(%arg0: i32) -> (i32, i32) {
    %c0_i32 = arith.constant 0 : i32
    %c0_i32_0 = arith.constant 0 : i32
    %c0_i32_1 = arith.constant 0 : i32
    return %c0_i32, %c0_i32_0 : i32, i32
  }
  func.func @transform_3(%arg0: i32) -> (i32, i32, i32) {
    %jit3A = arith.constant 32 : i32
    %div3A = arith.divsi %arg0, %jit3A : i32
    %sign3A = arith.constant 0 : i32
    %sign3A_0 = arith.cmpi sgt, %arg0, %sign3A : i32
    %sign3A_1 = arith.extui %sign3A_0 : i1 to i32
    %sign3A_2 = arith.constant 0 : i32
    %sign3A_3 = arith.cmpi slt, %arg0, %sign3A_2 : i32
    %sign3A_4 = arith.extui %sign3A_3 : i1 to i32
    %sign3A_5 = arith.subi %sign3A_1, %sign3A_4 : i32
    %sign3A_6 = arith.constant 0 : i32
    %sign3A_7 = arith.cmpi sgt, %jit3A, %sign3A_6 : i32
    %sign3A_8 = arith.extui %sign3A_7 : i1 to i32
    %sign3A_9 = arith.constant 0 : i32
    %sign3A_10 = arith.cmpi slt, %jit3A, %sign3A_9 : i32
    %sign3A_11 = arith.extui %sign3A_10 : i1 to i32
    %sign3A_12 = arith.subi %sign3A_8, %sign3A_11 : i32
    %ne3A = arith.cmpi ne, %sign3A_5, %sign3A_12 : i32
    %rem3A = arith.remsi %arg0, %jit3A : i32
    %ne3A_13 = arith.constant 0 : i32
    %ne3A_14 = arith.cmpi ne, %rem3A, %ne3A_13 : i32
    %and3A = arith.andi %ne3A, %ne3A_14 : i1
    %sub3A = arith.constant 1 : i32
    %sub3A_15 = arith.subi %div3A, %sub3A : i32
    %select_n3A = arith.select %and3A, %sub3A_15, %div3A : i32
    %mul3A = arith.constant 4 : i32
    %mul3A_16 = arith.muli %select_n3A, %mul3A : i32
    %jit3A_17 = arith.constant 4 : i32
    %eq3A = arith.constant 0 : i32
    %eq3A_18 = arith.cmpi eq, %jit3A_17, %eq3A : i32
    %jit3A_19 = arith.constant 1 : i32
    %select_n3A_20 = arith.select %eq3A_18, %jit3A_19, %jit3A_17 : i32
    %rem3A_21 = arith.remsi %arg0, %select_n3A_20 : i32
    %ne3A_22 = arith.constant 0 : i32
    %ne3A_23 = arith.cmpi ne, %rem3A_21, %ne3A_22 : i32
    %lt3A = arith.constant 0 : i32
    %lt3A_24 = arith.cmpi slt, %rem3A_21, %lt3A : i32
    %lt3A_25 = arith.constant 0 : i32
    %lt3A_26 = arith.cmpi slt, %select_n3A_20, %lt3A_25 : i32
    %ne3A_27 = arith.xori %lt3A_24, %lt3A_26 : i1
    %and3A_28 = arith.andi %ne3A_27, %ne3A_23 : i1
    %add3A = arith.addi %rem3A_21, %select_n3A_20 : i32
    %select_n3A_29 = arith.select %and3A_28, %add3A, %rem3A_21 : i32
    %add3A_30 = arith.addi %mul3A_16, %select_n3A_29 : i32
    %c0_i32 = arith.constant 0 : i32
    %c0_i32_31 = arith.constant 0 : i32
    %c0_i32_32 = arith.constant 0 : i32
    return %add3A_30, %c0_i32, %c0_i32_31 : i32, i32, i32
  }
  func.func @transform_4(%arg0: i32) -> i32 {
    %c0_i32 = arith.constant 0 : i32
    return %arg0 : i32
  }
  func.func @transform_5(%arg0: i32) -> i32 {
    %c0_i32 = arith.constant 0 : i32
    return %arg0 : i32
  }
  func.func @transform_6(%arg0: i32) -> (i32, i32, i32) {
    %c0_i32 = arith.constant 0 : i32
    %c0_i32_0 = arith.constant 0 : i32
    %c0_i32_1 = arith.constant 0 : i32
    return %arg0, %c0_i32, %c0_i32_0 : i32, i32, i32
  }
}

</mosaic_0001>

<sc_bundles>
// kernel: kernel.6.cloned.1.call-start
scs
__scs_entry_jumppad:
0x0: {  	(pc) =	sbr.rel $0x88, $3  }
0x1: {  	(tag) =	ssettag $0x0;
	lr =	simm.s32 $0x1  }
0x2: {  	[smem:$0x3F9F] =	sst lr;
	_ =	strace $0xD0000000  }
0x3: {  	_ = 	snop  }
0x4: {  	_ = 	snop  }
0x5: {  	_ = 	snop  }
0x6: {  	_ = 	snop  }
0x7: {  	_ = 	snop  }
__scs_overlays_trampoline_lowered:
0x8: {  	[smem:$0x3FAE] =	sst s0  }
0x9: {  	[smem:$0x3FAF] =	sst s1  }
0xa: {  	[smem:$0x3FB0] =	sst s2  }
0xb: {  	[smem:$0x3FB1] =	sst s3  }
0xc: {  	[smem:$0x3FB2] =	sst s4  }
0xd: {  	[smem:$0x3FB3] =	sst s5  }
0xe: {  	[smem:$0x3FB4] =	sst s6  }
0xf: {  	[smem:$0x3FB5] =	sst s7  }
0x10: {  	[smem:$0x3FB6] =	sst s8  }
0x11: {  	[smem:$0x3FB7] =	sst s9;
	s0 =	simm.s32 @!p0 $0x0  }
0x12: {  	s1 =	sld [smem:$0x3F9D];
	s0 =	simm.s32 @p0 $0x1  }
0x13: {  	[smem:$0x3FB8] =	sst s0;
	s0 =	simm.s32 @!p1 $0x0  }
0x14: {  	s2 =	sld [smem:$0x3F9C];
	s0 =	simm.s32 @p1 $0x1  }
0x15: {  	[smem:$0x3FB9] =	sst s0;
	s0 =	simm.s32 @!p2 $0x0  }
0x16: {  	s3 =	sld [smem:$0x3FDB];
	s0 =	simm.s32 @p2 $0x1  }
0x17: {  	s4 =	simm.s32 $0x1BF5;
	[smem:$0x3FBB] =	sst s0  }
0x18: {  	s0 =	sld [smem:$0x3F9E];
	_ =	swait.ge [sflag:s4], $0x0  }
0x19: {  	s7 =	sld [smem:$0x3F9F]  }
0x1a: {  	s8 =	sadd.s32 $0xFFFFE003, lr  }
0x1b: {  	s9 =	sadd.s32 $0xFFFFFEF7, lr;
	s5 =	simm.s32 $0xFFFFFFFF;
	p2 =	slt.u32 s8, $0xFFFFF086  }
0x1c: {  	p1 =	slt.u32 s9, $0xF7A;
	s5 =	simm.s32 @!p2 $0x0  }
0x1d: {  	s5 =	simm.s32 @p1 $0x1;
	p0 =	seq.s32 s7, s2  }
0x1e: {  	s7 =	smul.u32 @!p0 $0xF7A, s2;
	p2 =	seq.s32 @!p0 s5, $0x0  }
0x1f: {  	s9 =	smul.u32 $0xF7A, s1;
	s8 =	simm.s32 @!p0 $0x1BF5;
	p2 =	por !p2, p0  }
0x20: {  	[sflag:s8] =	ssyncset.s32 @!p0 $0xFFFFF086;
	s6 =	sadd.s32 @!p0 s3, s7;
	s7 =	simm.s32 @!p0 $0x108  }
0x21: {  	s3 =	sadd.s32 s3, s9;
	s6 =	sadd.s32 @!p0 $0x88, s6;
	s7 =	simm.s32 @p2 $0x1082  }
0x22: {  	[simem:s7], [sflag:s8] =	dma.local @!p0 [hbm:s6], $0xF7A  }
0x23: {  	s9 =	sor.u32 $0xD0000000, s2;
	s6 =	simm.s32 $0x108;
	_ =	swait.ge @!p0 [sflag:s8], $0x0  }
0x24: {  	s3 =	sadd.s32 $0x88, s3;
	s6 =	simm.s32 @!p1 $0x1082;
	[sflag:s4] =	ssyncset.s32 $0xFFFFF086  }
0x25: {  	[simem:s6], [sflag:s4] =	dma.local [hbm:s3], $0xF7A  }
0x26: {  	[smem:$0x3F9F] =	sst s1;
	(tag) =	ssettag s2;
	_ =	strace s9  }
0x27: {  	s1 =	sld [smem:$0x3FAF]  }
0x28: {  	s2 =	sld [smem:$0x3FB0]  }
0x29: {  	s4 =	sld [smem:$0x3FB2]  }
0x2a: {  	p0 =	seq.s32 s5, $0x0;
	s5 =	sld [smem:$0x3FB3]  }
0x2b: {  	s6 =	sld [smem:$0x3FB4]  }
0x2c: {  	s7 =	sld [smem:$0x3FB5]  }
0x2d: {  	s3 =	simm.s32 $0x108;
	s8 =	sld [smem:$0x3FB6]  }
0x2e: {  	s3 =	simm.s32 @!p0 $0x1082;
	s9 =	sld [smem:$0x3FB7]  }
0x2f: {  	lr =	sadd.s32 s0, s3;
	s0 =	sld [smem:$0x3FAE]  }
0x30: {  	s3 =	sld [smem:$0x3FB1]  }
0x31: {  	[smem:$0x3FBA] =	sst s10  }
0x32: {  	s10 =	sld [smem:$0x3FB8];
	_ =	sdelay $0x3  }
0x33: {  	p0 =	seq.s32 s10, $0x1;
	s10 =	sld [smem:$0x3FBA];
	_ =	sdelay $0x3  }
0x34: {  	[smem:$0x3FBA] =	sst s10  }
0x35: {  	s10 =	sld [smem:$0x3FB9];
	_ =	sdelay $0x3  }
0x36: {  	p1 =	seq.s32 s10, $0x1;
	s10 =	sld [smem:$0x3FBA];
	_ =	sdelay $0x3  }
0x37: {  	[smem:$0x3FBA] =	sst s10  }
0x38: {  	s10 =	sld [smem:$0x3FBB]  }
0x39: {  	_ = 	snop;
	(pc) =	sbr.ind lr, $3  }
0x3a: {  	_ = 	snop  }
0x3b: {  	_ = 	snop  }
0x3c: {  	p2 =	seq.s32 s10, $0x1;
	s10 =	sld [smem:$0x3FBA]  }
0x3d: {  	_ =	shalt  }
0x3e: {  	_ =	shalt  }
0x3f: {  	_ =	shalt  }
0x40: {  	_ =	shalt  }
0x41: {  	_ =	shalt  }
0x42: {  	_ =	shalt  }
0x43: {  	_ =	shalt  }
0x44: {  	_ =	shalt  }
0x45: {  	_ =	shalt  }
0x46: {  	_ =	shalt  }
0x47: {  	_ =	shalt  }
0x48: {  	_ =	shalt  }
0x49: {  	_ =	shalt  }
0x4a: {  	_ =	shalt  }
0x4b: {  	_ =	shalt  }
0x4c: {  	_ =	shalt  }
0x4d: {  	_ =	shalt  }
0x4e: {  	_ =	shalt  }
0x4f: {  	_ =	shalt  }
0x50: {  	_ =	shalt  }
0x51: {  	_ =	shalt  }
0x52: {  	_ =	shalt  }
0x53: {  	_ =	shalt  }
0x54: {  	_ =	shalt  }
0x55: {  	_ =	shalt  }
0x56: {  	_ =	shalt  }
0x57: {  	_ =	shalt  }
0x58: {  	_ =	shalt  }
0x59: {  	_ =	shalt  }
0x5a: {  	_ =	shalt  }
0x5b: {  	_ =	shalt  }
0x5c: {  	_ =	shalt  }
0x5d: {  	_ =	shalt  }
0x5e: {  	_ =	shalt  }
0x5f: {  	_ =	shalt  }
0x60: {  	_ =	shalt  }
0x61: {  	_ =	shalt  }
0x62: {  	_ =	shalt  }
0x63: {  	_ =	shalt  }
0x64: {  	_ =	shalt  }
0x65: {  	_ =	shalt  }
0x66: {  	_ =	shalt  }
0x67: {  	_ =	shalt  }
0x68: {  	_ =	shalt  }
0x69: {  	_ =	shalt  }
0x6a: {  	_ =	shalt  }
0x6b: {  	_ =	shalt  }
0x6c: {  	_ =	shalt  }
0x6d: {  	_ =	shalt  }
0x6e: {  	_ =	shalt  }
0x6f: {  	_ =	shalt  }
0x70: {  	_ =	shalt  }
0x71: {  	_ =	shalt  }
0x72: {  	_ =	shalt  }
0x73: {  	_ =	shalt  }
0x74: {  	_ =	shalt  }
0x75: {  	_ =	shalt  }
0x76: {  	_ =	shalt  }
0x77: {  	_ =	shalt  }
0x78: {  	_ =	shalt  }
0x79: {  	_ =	shalt  }
0x7a: {  	_ =	shalt  }
0x7b: {  	_ =	shalt  }
0x7c: {  	_ =	shalt  }
0x7d: {  	_ =	shalt  }
0x7e: {  	_ =	shalt  }
0x7f: {  	_ =	shalt  }
0x80: {  	_ =	shalt  }
0x81: {  	_ =	shalt  }
0x82: {  	_ =	shalt  }
0x83: {  	_ =	shalt  }
0x84: {  	_ =	shalt  }
0x85: {  	_ =	shalt  }
0x86: {  	_ =	shalt  }
0x87: {  	_ =	shalt  }
.Lfunc_end0:
.L_simem_size_0:
called_computation_lowered:
.L_overlay_start_0:
0x88: {  	s2 =	sld [smem:$0x3FD9]  }
0x89: {  	s3 =	sld [smem:$0x3FFE];
	_ =	sdelay $0x1  }
0x8a: {  	s1 =	srdreg.scid  }
0x8b: {  	s0 =	sand.u32 $0x1, s1  }
0x8c: {  	s14 =	sshll.u32 s0, $0xA;
	s2 =	sadd.s32 s3, s2  }
0x8d: {  	s2 =	sadd.s32 s2, s14  }
0x8e: {  	[smem:$0x3FC6] =	sst s2  }
0x8f: {  	_ = 	snop  }
0x90: {  	s2 =	sld [smem:$0x3FD0];
	_ =	sdelay $0x2  }
0x91: {  	s15 =	simm.s32 $0xB;
	s4 =	simm.s32 $0x10  }
0x92: {  	[smem:s4], [sflag:s15] =	dma.local [hbm:s2], $0x1  }
0x93: {  	_ =	swait.eq [sflag:s15], $0x1  }
0x94: {  	[sflag:s15] =	ssyncset.done $0x0  }
0x95: {  	[sflag:s15] =	ssyncadd.s32 $0xFFFFFFFF  }
0x96: {  	s16 =	sld [smem:$0x10];
	(tm) =	ssettm $0x1  }
0x97: {  	s17 =	sld [smem:$0x3FFB];
	_ =	sdelay $0x3  }
0x98: {  	_ =	strace s17  }
0x99: {  	s3 =	sld [smem:$0x3FFC];
	_ =	sdelay $0x3  }
0x9a: {  	_ =	strace s3  }
0x9b: {  	s3 =	sld [smem:$0x3FFD];
	_ =	sdelay $0x3  }
0x9c: {  	_ =	strace s3  }
0x9d: {  	_ =	strace $0x8FFFFFFF  }
0x9e: {  	s18 =	sld [smem:$0x3FDB];
	_ =	sdelay $0x1  }
0x9f: {  	s19 =	simm.s32 $_scs_section_size  }
0xa0: {  	s5 =	simm.s32 $_size__tile_overlayer_lowered;
	s6 =	simm.s32 $_tile_overlayer_lowered  }
0xa1: {  	s22 =	simm.s32 $0x1BFF;
	s21 =	sshll.u32 s6, $0x1;
	s3 =	sadd.s32 s19, s18  }
0xa2: {  	s7 =	simm.s32 $0x0;
	s20 =	sshll.u32 s5, $0x1;
	s5 =	sadd.s32 s21, s3  }
0xa3: {  	[timem:s7], [sflag:s22] =	dma.local [hbm:s5], s20  }
0xa4: {  	_ =	swait.ge [sflag:s22], s20  }
0xa5: {  	s4 =	ssub.s32 $0x0, s20;
	[sflag:s22] =	ssyncset.done $0x0  }
0xa6: {  	[sflag:s22] =	ssyncadd.s32 s4;
	_ =	sdelay $0x1  }
0xa7: {  	s23 =	simm.s32 $0x1B8B  }
0xa8: {  	_ =	swait.ge [sflag:s23], $0x1  }
0xa9: {  	[sflag:s23] =	ssyncset.done $0x0  }
0xaa: {  	s25 =	simm.s32 $0x1B8E;
	s24 =	sld [smem:$0x3FFE];
	[sflag:s23] =	ssyncadd.s32 $0xFFFFFFFF  }
0xab: {  	s26 =	simm.s32 $execute0_lowered;
	[smem:$0x3FD2] =	sst s25  }
0xac: {  	s5 =	sshll.u32 s26, $0x1;
	_ =	strace $0x80000046;
	[dreg:$0x1] =	wrdreg $0xFFFFFFFF  }
0xad: {  	s28 =	simm.s32 $_size_execute0_lowered;
	s3 =	sadd.s32 s3, s5;
	[dreg:$0x0] =	wrdreg $0x0  }
0xae: {  	s5 =	sshll.u32 s28, $0x1;
	[dreg:$0x2] =	wrdreg s3  }
0xaf: {  	[dreg:$0x3] =	wrdreg s5  }
0xb0: {  	[dreg:$0x4] =	wrdreg $0xC0  }
0xb1: {  	_ =	task [dreg:s7], $0x5FFFF  }
0xb2: {  	[dreg:$0x1] =	wrdreg $0xFFFFFFFF  }
0xb3: {  	[dreg:$0x0] =	wrdreg $0x60  }
0xb4: {  	[dreg:$0x2] =	wrdreg s24  }
0xb5: {  	[dreg:$0x3] =	wrdreg s16  }
0xb6: {  	[dreg:$0x4] =	wrdreg $0x9  }
0xb7: {  	_ =	task.clear_ibuf [dreg:s7], $0x5FFFF;
	_ =	strace $0x90000046  }
0xb8: {  	s29 =	simm.s32 $0x9;
	_ =	strace $0x80000048  }
0xb9: {  	_ =	swait.ge [sflag:s29], $0x1  }
0xba: {  	[sflag:s29] =	ssyncadd.s32 $0xFFFFFFFF  }
0xbb: {  	_ =	strace $0x90000048  }
0xbc: {  	_ =	sfence  }
0xbd: {  	s30 =	sld [smem:$0x0];
	_ =	sdelay $0x2  }
0xbe: {  	s31 =	sshll.u32 s1, $0xD;
	s1 =	sshrl.u32 s1, $0x2  }
0xbf: {  	s3 =	sand.u32 $0x4000, s31;
	s1 =	sadd.s32 s1, s30  }
0xc0: {  	s0 =	sor.u32 s3, s0;
	s1 =	sshll.u32 s1, $0x11  }
0xc1: {  	s0 =	sor.u32 s1, s0  }
0xc2: {  	s0 =	sadd.s32 $0x8F2B, s0  }
0xc3: {  	[sflag:s0] =	ssyncadd.remote.s32 $0x1  }
0xc4: {  	_ =	sfence.sel $0xFFFF  }
0xc5: {  	[dreg:$0x0] =	wrdreg $0xFFFFFFFF;
	(pc) =	sbr.abs _section_cstart, $3  }
0xc6: {  	[dreg:$0x1] =	wrdreg $0xFFFFFFFF  }
0xc7: {  	_ =	task.clear_ibuf [dreg:s7], $0x2FFFF;
	_ =	strace $0x9FFFFFFF  }
0xc8: {  	(tm) =	ssettm $0x7FFFFFFF  }
0xc9: {  	_ =	shalt  }
tec
execute0_lowered:
.L_overlay_start_1:
0x0: {  	(tag) =	ssettag $0x1  }
0x1: {  	s1 =	srdreg.scid  }
0x2: {  	s0 =	stileid.u32;
	s1 =	sand.u32 $0x1, s1  }
0x3: {  	s4 =	rddreg [dreg:$0x0];
	s5 =	sshll.u32 s0, $0xC;
	s6 =	sshll.u32 s1, $0xB  }
0x4: {  	s3 =	rddreg [dreg:$0x1];
	s5 =	sor.u32 s6, s5  }
0x5: {  	s2 =	simm.s32 $0x0;
	s6 =	sshll.u32 s5, $0x3;
	s5 =	sshrl.u32 s5, $0x3  }
0x6: {  	[smem:$0x7FF] =	sst s2;
	s30 =	sadd.s32 s6, s4;
	s3 =	sadd.s32 s3, s5  }
0x7: {  	_ =	strace $0x80000047;
	[dreg:$0x3] =	wrdreg s3;
	s17 =	sadd.s32 $0x2200, s30  }
0x8: {  	s18 =	sadd.s32 $0x5A00, s30;
	[dreg:$0x4] =	wrdreg s17  }
0x9: {  	s19 =	sadd.s32 $0x5E00, s30;
	[dreg:$0x5] =	wrdreg s18  }
0xa: {  	s20 =	sadd.s32 $0x2600, s30;
	[dreg:$0x6] =	wrdreg s19  }
0xb: {  	s21 =	sadd.s32 $0x2A00, s30;
	[dreg:$0x7] =	wrdreg s20  }
0xc: {  	s22 =	sadd.s32 $0x2E00, s30;
	[dreg:$0x8] =	wrdreg s21  }
0xd: {  	s23 =	sadd.s32 $0x3200, s30;
	[dreg:$0x9] =	wrdreg s22  }
0xe: {  	[dreg:$0xa] =	wrdreg s23  }
0xf: {  	s24 =	sadd.s32 $0x3600, s30;
	s25 =	rddreg [dreg:$0x3]  }
0x10: {  	s26 =	sadd.s32 $0x3A00, s30;
	[dreg:$0xb] =	wrdreg s24  }
0x11: {  	s3 =	simm.s32 $0x3;
	[dreg:$0xc] =	wrdreg s26  }
0x12: {  	[tilespmem:s2], [sflag:$0x3] =	stream.linear.gather [hbm4b:s25+s2], $0x800, $0x38;
	[tilespmem:$0x4800] =	vst v63  }
0x13: {  	_ =	swait.ge [sflag:s3], $0x800  }
0x14: {  	s4 =	sadd.s32 $0x200, s4;
	[sflag:s3] =	ssyncset.done $0x0  }
0x15: {  	s5 =	simm.s32 $0x80;
	s6 =	simm.s32 $0x800;
	[sflag:s3] =	ssyncadd.s32 $0xFFFFF800  }
0x16: {  	[tilespmem:s6], [sflag:$0x1] =	stream.indirect.gather [hbm4b:s4+s5], $0x40, s2, s5, $0xb8;
	[tilespmem:$0x4800] =	vst v63  }
0x17: {  	s7 =	simm.s32 $0x2800;
	s8 =	simm.s32 $0x1  }
0x18: {  	[tilespmem:s7], [sflag:$0x2] =	stream.indirect.gather [hbm4b:s4+s5], $0x40, s5, s5, $0xb8;
	[tilespmem:$0x4800] =	vst v63  }
0x19: {  	_ =	swait.ge [sflag:s8], $0x2000  }
0x1a: {  	[sflag:s8] =	ssyncset.done $0x0  }
0x1b: {  	s9 =	rddreg [dreg:$0x4];
	[sflag:s8] =	ssyncadd.s32 $0xFFFFE000  }
0x1c: {  	[hbm4b:s9+s2] =	stream.linear.scatter [tilespmem:s6], [sflag:$0x3], $0x2000, $0x38;
	[tilespmem:$0x4800] =	vst v63  }
0x1d: {  	_ =	swait.ge [sflag:s3], $0x2000  }
0x1e: {  	[sflag:s3] =	ssyncset.done $0x0  }
0x1f: {  	s10 =	simm.s32 $0x2;
	s9 =	simm.s32 $0x100;
	[sflag:s3] =	ssyncadd.s32 $0xFFFFE000  }
0x20: {  	[tilespmem:s6], [sflag:$0x1] =	stream.indirect.gather [hbm4b:s4+s5], $0x40, s9, s5, $0xb8;
	[tilespmem:$0x4800] =	vst v63  }
0x21: {  	_ =	swait.ge [sflag:s10], $0x2000  }
0x22: {  	[sflag:s10] =	ssyncset.done $0x0  }
0x23: {  	s11 =	rddreg [dreg:$0x7];
	[sflag:s10] =	ssyncadd.s32 $0xFFFFE000  }
0x24: {  	[hbm4b:s11+s2] =	stream.linear.scatter [tilespmem:s7], [sflag:$0x3], $0x2000, $0x38;
	[tilespmem:$0x4800] =	vst v63  }
0x25: {  	_ =	swait.ge [sflag:s3], $0x2000  }
0x26: {  	[sflag:s3] =	ssyncset.done $0x0  }
0x27: {  	s11 =	simm.s32 $0x180;
	[sflag:s3] =	ssyncadd.s32 $0xFFFFE000  }
0x28: {  	[tilespmem:s7], [sflag:$0x2] =	stream.indirect.gather [hbm4b:s4+s5], $0x40, s11, s5, $0xb8;
	[tilespmem:$0x4800] =	vst v63  }
0x29: {  	_ =	swait.ge [sflag:s8], $0x2000  }
0x2a: {  	[sflag:s8] =	ssyncset.done $0x0  }
0x2b: {  	s12 =	rddreg [dreg:$0x8];
	[sflag:s8] =	ssyncadd.s32 $0xFFFFE000  }
0x2c: {  	[hbm4b:s12+s2] =	stream.linear.scatter [tilespmem:s6], [sflag:$0x3], $0x2000, $0x38;
	[tilespmem:$0x4800] =	vst v63  }
0x2d: {  	_ =	swait.ge [sflag:s3], $0x2000  }
0x2e: {  	[sflag:s3] =	ssyncset.done $0x0  }
0x2f: {  	s12 =	simm.s32 $0x200;
	[sflag:s3] =	ssyncadd.s32 $0xFFFFE000  }
0x30: {  	[tilespmem:s6], [sflag:$0x1] =	stream.indirect.gather [hbm4b:s4+s5], $0x40, s12, s5, $0xb8;
	[tilespmem:$0x4800] =	vst v63  }
0x31: {  	_ =	swait.ge [sflag:s10], $0x2000  }
0x32: {  	[sflag:s10] =	ssyncset.done $0x0  }
0x33: {  	s13 =	rddreg [dreg:$0x9];
	[sflag:s10] =	ssyncadd.s32 $0xFFFFE000  }
0x34: {  	[hbm4b:s13+s2] =	stream.linear.scatter [tilespmem:s7], [sflag:$0x3], $0x2000, $0x38;
	[tilespmem:$0x4800] =	vst v63  }
0x35: {  	_ =	swait.ge [sflag:s3], $0x2000  }
0x36: {  	[sflag:s3] =	ssyncset.done $0x0  }
0x37: {  	s13 =	simm.s32 $0x280;
	[sflag:s3] =	ssyncadd.s32 $0xFFFFE000  }
0x38: {  	[tilespmem:s7], [sflag:$0x2] =	stream.indirect.gather [hbm4b:s4+s5], $0x40, s13, s5, $0xb8;
	[tilespmem:$0x4800] =	vst v63  }
0x39: {  	_ =	swait.ge [sflag:s8], $0x2000  }
0x3a: {  	[sflag:s8] =	ssyncset.done $0x0  }
0x3b: {  	s14 =	rddreg [dreg:$0xa];
	[sflag:s8] =	ssyncadd.s32 $0xFFFFE000  }
0x3c: {  	[hbm4b:s14+s2] =	stream.linear.scatter [tilespmem:s6], [sflag:$0x3], $0x2000, $0x38;
	[tilespmem:$0x4800] =	vst v63  }
0x3d: {  	_ =	swait.ge [sflag:s3], $0x2000  }
0x3e: {  	[sflag:s3] =	ssyncset.done $0x0  }
0x3f: {  	s14 =	simm.s32 $0x300;
	[sflag:s3] =	ssyncadd.s32 $0xFFFFE000  }
0x40: {  	[tilespmem:s6], [sflag:$0x1] =	stream.indirect.gather [hbm4b:s4+s5], $0x40, s14, s5, $0xb8;
	[tilespmem:$0x4800] =	vst v63  }
0x41: {  	_ =	swait.ge [sflag:s10], $0x2000  }
0x42: {  	[sflag:s10] =	ssyncset.done $0x0  }
0x43: {  	s15 =	rddreg [dreg:$0xb];
	[sflag:s10] =	ssyncadd.s32 $0xFFFFE000  }
0x44: {  	[hbm4b:s15+s2] =	stream.linear.scatter [tilespmem:s7], [sflag:$0x3], $0x2000, $0x38;
	[tilespmem:$0x4800] =	vst v63  }
0x45: {  	_ =	swait.ge [sflag:s3], $0x2000  }
0x46: {  	[sflag:s3] =	ssyncset.done $0x0  }
0x47: {  	s15 =	simm.s32 $0x380;
	[sflag:s3] =	ssyncadd.s32 $0xFFFFE000  }
0x48: {  	[tilespmem:s7], [sflag:$0x2] =	stream.indirect.gather [hbm4b:s4+s5], $0x40, s15, s5, $0xb8;
	[tilespmem:$0x4800] =	vst v63  }
0x49: {  	_ =	swait.ge [sflag:s8], $0x2000  }
0x4a: {  	[sflag:s8] =	ssyncset.done $0x0  }
0x4b: {  	s16 =	rddreg [dreg:$0xc];
	[sflag:s8] =	ssyncadd.s32 $0xFFFFE000  }
0x4c: {  	[hbm4b:s16+s2] =	stream.linear.scatter [tilespmem:s6], [sflag:$0x3], $0x2000, $0x38;
	[tilespmem:$0x4800] =	vst v63  }
0x4d: {  	_ =	swait.ge [sflag:s3], $0x2000  }
0x4e: {  	[sflag:s3] =	ssyncset.done $0x0  }
0x4f: {  	s16 =	simm.s32 $0x400;
	[sflag:s3] =	ssyncadd.s32 $0xFFFFE000  }
0x50: {  	[tilespmem:s6], [sflag:$0x1] =	stream.indirect.gather [hbm4b:s4+s5], $0x40, s16, s5, $0xb8;
	[tilespmem:$0x4800] =	vst v63  }
0x51: {  	_ =	swait.ge [sflag:s10], $0x2000  }
0x52: {  	[sflag:s10] =	ssyncset.done $0x0  }
0x53: {  	s17 =	sadd.s32 $0x3E00, s30;
	[sflag:s10] =	ssyncadd.s32 $0xFFFFE000  }
0x54: {  	[hbm4b:s17+s2] =	stream.linear.scatter [tilespmem:s7], [sflag:$0x3], $0x2000, $0x38;
	[tilespmem:$0x4800] =	vst v63  }
0x55: {  	_ =	swait.ge [sflag:s3], $0x2000  }
0x56: {  	[sflag:s3] =	ssyncset.done $0x0  }
0x57: {  	s18 =	simm.s32 $0x480;
	[sflag:s3] =	ssyncadd.s32 $0xFFFFE000  }
0x58: {  	[tilespmem:s7], [sflag:$0x2] =	stream.indirect.gather [hbm4b:s4+s5], $0x40, s18, s5, $0xb8;
	[tilespmem:$0x4800] =	vst v63  }
0x59: {  	_ =	swait.ge [sflag:s8], $0x2000  }
0x5a: {  	[sflag:s8] =	ssyncset.done $0x0  }
0x5b: {  	s19 =	sadd.s32 $0x4200, s30;
	[sflag:s8] =	ssyncadd.s32 $0xFFFFE000  }
0x5c: {  	[hbm4b:s19+s2] =	stream.linear.scatter [tilespmem:s6], [sflag:$0x3], $0x2000, $0x38;
	[tilespmem:$0x4800] =	vst v63  }
0x5d: {  	_ =	swait.ge [sflag:s3], $0x2000  }
0x5e: {  	[sflag:s3] =	ssyncset.done $0x0  }
0x5f: {  	s20 =	simm.s32 $0x500;
	[sflag:s3] =	ssyncadd.s32 $0xFFFFE000  }
0x60: {  	[tilespmem:s6], [sflag:$0x1] =	stream.indirect.gather [hbm4b:s4+s5], $0x40, s20, s5, $0xb8;
	[tilespmem:$0x4800] =	vst v63  }
0x61: {  	_ =	swait.ge [sflag:s10], $0x2000  }
0x62: {  	[sflag:s10] =	ssyncset.done $0x0  }
0x63: {  	s21 =	sadd.s32 $0x4600, s30;
	[sflag:s10] =	ssyncadd.s32 $0xFFFFE000  }
0x64: {  	[hbm4b:s21+s2] =	stream.linear.scatter [tilespmem:s7], [sflag:$0x3], $0x2000, $0x38;
	[tilespmem:$0x4800] =	vst v63  }
0x65: {  	_ =	swait.ge [sflag:s3], $0x2000  }
0x66: {  	[sflag:s3] =	ssyncset.done $0x0  }
0x67: {  	s22 =	simm.s32 $0x580;
	[sflag:s3] =	ssyncadd.s32 $0xFFFFE000  }
0x68: {  	[tilespmem:s7], [sflag:$0x2] =	stream.indirect.gather [hbm4b:s4+s5], $0x40, s22, s5, $0xb8;
	[tilespmem:$0x4800] =	vst v63  }
0x69: {  	_ =	swait.ge [sflag:s8], $0x2000  }
0x6a: {  	[sflag:s8] =	ssyncset.done $0x0  }
0x6b: {  	s23 =	sadd.s32 $0x4A00, s30;
	[sflag:s8] =	ssyncadd.s32 $0xFFFFE000  }
0x6c: {  	[hbm4b:s23+s2] =	stream.linear.scatter [tilespmem:s6], [sflag:$0x3], $0x2000, $0x38;
	[tilespmem:$0x4800] =	vst v63  }
0x6d: {  	_ =	swait.ge [sflag:s3], $0x2000  }
0x6e: {  	[sflag:s3] =	ssyncset.done $0x0  }
0x6f: {  	s24 =	simm.s32 $0x600;
	[sflag:s3] =	ssyncadd.s32 $0xFFFFE000  }
0x70: {  	[tilespmem:s6], [sflag:$0x1] =	stream.indirect.gather [hbm4b:s4+s5], $0x40, s24, s5, $0xb8;
	[tilespmem:$0x4800] =	vst v63  }
0x71: {  	_ =	swait.ge [sflag:s10], $0x2000  }
0x72: {  	[sflag:s10] =	ssyncset.done $0x0  }
0x73: {  	s25 =	sadd.s32 $0x4E00, s30;
	[sflag:s10] =	ssyncadd.s32 $0xFFFFE000  }
0x74: {  	[hbm4b:s25+s2] =	stream.linear.scatter [tilespmem:s7], [sflag:$0x3], $0x2000, $0x38;
	[tilespmem:$0x4800] =	vst v63  }
0x75: {  	_ =	swait.ge [sflag:s3], $0x2000  }
0x76: {  	[sflag:s3] =	ssyncset.done $0x0  }
0x77: {  	s26 =	simm.s32 $0x680;
	[sflag:s3] =	ssyncadd.s32 $0xFFFFE000  }
0x78: {  	[tilespmem:s7], [sflag:$0x2] =	stream.indirect.gather [hbm4b:s4+s5], $0x40, s26, s5, $0xb8;
	[tilespmem:$0x4800] =	vst v63  }
0x79: {  	_ =	swait.ge [sflag:s8], $0x2000  }
0x7a: {  	[sflag:s8] =	ssyncset.done $0x0  }
0x7b: {  	s28 =	sadd.s32 $0x5200, s30;
	[sflag:s8] =	ssyncadd.s32 $0xFFFFE000  }
0x7c: {  	[hbm4b:s28+s2] =	stream.linear.scatter [tilespmem:s6], [sflag:$0x3], $0x2000, $0x38;
	[tilespmem:$0x4800] =	vst v63  }
0x7d: {  	_ =	swait.ge [sflag:s3], $0x2000  }
0x7e: {  	[sflag:s3] =	ssyncset.done $0x0  }
0x7f: {  	s29 =	simm.s32 $0x700;
	[sflag:s3] =	ssyncadd.s32 $0xFFFFE000  }
0x80: {  	[tilespmem:s6], [sflag:$0x1] =	stream.indirect.gather [hbm4b:s4+s5], $0x40, s29, s5, $0xb8;
	[tilespmem:$0x4800] =	vst v63  }
0x81: {  	_ =	swait.ge [sflag:s10], $0x2000  }
0x82: {  	[sflag:s10] =	ssyncset.done $0x0  }
0x83: {  	s30 =	sadd.s32 $0x5600, s30;
	[sflag:s10] =	ssyncadd.s32 $0xFFFFE000  }
0x84: {  	[hbm4b:s30+s2] =	stream.linear.scatter [tilespmem:s7], [sflag:$0x3], $0x2000, $0x38;
	[tilespmem:$0x4800] =	vst v63  }
0x85: {  	_ =	swait.ge [sflag:s3], $0x2000  }
0x86: {  	[sflag:s3] =	ssyncset.done $0x0  }
0x87: {  	s31 =	simm.s32 $0x780;
	[sflag:s3] =	ssyncadd.s32 $0xFFFFE000  }
0x88: {  	[tilespmem:s7], [sflag:$0x2] =	stream.indirect.gather [hbm4b:s4+s5], $0x40, s31, s5, $0xb8;
	[tilespmem:$0x4800] =	vst v63  }
0x89: {  	_ =	swait.ge [sflag:s8], $0x2000  }
0x8a: {  	[sflag:s8] =	ssyncset.done $0x0  }
0x8b: {  	s0 =	rddreg [dreg:$0x5];
	[sflag:s8] =	ssyncadd.s32 $0xFFFFE000  }
0x8c: {  	[hbm4b:s0+s2] =	stream.linear.scatter [tilespmem:s6], [sflag:$0x3], $0x2000, $0x38;
	[tilespmem:$0x4800] =	vst v63  }
0x8d: {  	_ =	swait.ge [sflag:s3], $0x2000  }
0x8e: {  	[sflag:s3] =	ssyncset.done $0x0  }
0x8f: {  	[sflag:s3] =	ssyncadd.s32 $0xFFFFE000  }
0x90: {  	_ =	swait.ge [sflag:s10], $0x2000  }
0x91: {  	s0 =	ssub.s32 $0x2, s1;
	s1 =	rddreg [dreg:$0x6]  }
0x92: {  	[dreg:$0xd] =	wrdreg s1;
	s1 =	sshrl.u32 s0, $0x1  }
0x93: {  	s0 =	ssub.s32 s0, s1  }
0x94: {  	s0 =	smax.u32 s0, $0x1  }
0x95: {  	p0 =	sne.s32 s0, $0x1  }
.Ltmp0:
0x96: {  	_ = 	snop;
	(pc) =	sbr.rel @!p0 .LBB2_2-.Ltmp0, $4  }
0x97: {  	[sflag:s10] =	ssyncset.done $0x0  }
0x98: {  	[sflag:s10] =	ssyncadd.s32 $0xFFFFE000;
	s1 =	rddreg [dreg:$0xd]  }
0x99: {  	[hbm4b:s1+s2] =	stream.linear.scatter [tilespmem:s7], [sflag:$0x3], $0x2000, $0x38;
	[tilespmem:$0x4800] =	vst v63  }
0x9a: {  	s1 =	sadd.s32 $0xFFFFFFFF, s0;
	_ =	swait.ge [sflag:s3], $0x2000  }
.LBB2_1:
0x9b: {  	[sflag:s3] =	ssyncset.done $0x0  }
0x9c: {  	s0 =	rddreg [dreg:$0x3];
	[sflag:s3] =	ssyncadd.s32 $0xFFFFE000  }
0x9d: {  	[tilespmem:s2], [sflag:$0x3] =	stream.linear.gather [hbm4b:s0+s2], $0x800, $0x38;
	[tilespmem:$0x4800] =	vst v63  }
0x9e: {  	_ =	swait.ge [sflag:s3], $0x800  }
0x9f: {  	[sflag:s3] =	ssyncset.done $0x0  }
0xa0: {  	[sflag:s3] =	ssyncadd.s32 $0xFFFFF800  }
0xa1: {  	[tilespmem:s6], [sflag:$0x1] =	stream.indirect.gather [hbm4b:s4+s5], $0x40, s2, s5, $0xb8;
	[tilespmem:$0x4800] =	vst v63  }
0xa2: {  	_ = 	snop  }
0xa3: {  	[tilespmem:s7], [sflag:$0x2] =	stream.indirect.gather [hbm4b:s4+s5], $0x40, s5, s5, $0xb8;
	[tilespmem:$0x4800] =	vst v63  }
0xa4: {  	_ =	swait.ge [sflag:s8], $0x2000  }
0xa5: {  	[sflag:s8] =	ssyncset.done $0x0  }
0xa6: {  	s0 =	rddreg [dreg:$0x4];
	[sflag:s8] =	ssyncadd.s32 $0xFFFFE000  }
0xa7: {  	[hbm4b:s0+s2] =	stream.linear.scatter [tilespmem:s6], [sflag:$0x3], $0x2000, $0x38;
	[tilespmem:$0x4800] =	vst v63  }
0xa8: {  	_ =	swait.ge [sflag:s3], $0x2000  }
0xa9: {  	[sflag:s3] =	ssyncset.done $0x0  }
0xaa: {  	[sflag:s3] =	ssyncadd.s32 $0xFFFFE000  }
0xab: {  	[tilespmem:s6], [sflag:$0x1] =	stream.indirect.gather [hbm4b:s4+s5], $0x40, s9, s5, $0xb8;
	[tilespmem:$0x4800] =	vst v63  }
0xac: {  	_ =	swait.ge [sflag:s10], $0x2000  }
0xad: {  	[sflag:s10] =	ssyncset.done $0x0  }
0xae: {  	s0 =	rddreg [dreg:$0x7];
	[sflag:s10] =	ssyncadd.s32 $0xFFFFE000  }
0xaf: {  	[hbm4b:s0+s2] =	stream.linear.scatter [tilespmem:s7], [sflag:$0x3], $0x2000, $0x38;
	[tilespmem:$0x4800] =	vst v63  }
0xb0: {  	_ =	swait.ge [sflag:s3], $0x2000  }
0xb1: {  	[sflag:s3] =	ssyncset.done $0x0  }
0xb2: {  	[sflag:s3] =	ssyncadd.s32 $0xFFFFE000  }
0xb3: {  	[tilespmem:s7], [sflag:$0x2] =	stream.indirect.gather [hbm4b:s4+s5], $0x40, s11, s5, $0xb8;
	[tilespmem:$0x4800] =	vst v63  }
0xb4: {  	_ =	swait.ge [sflag:s8], $0x2000  }
0xb5: {  	[sflag:s8] =	ssyncset.done $0x0  }
0xb6: {  	s0 =	rddreg [dreg:$0x8];
	[sflag:s8] =	ssyncadd.s32 $0xFFFFE000  }
0xb7: {  	[hbm4b:s0+s2] =	stream.linear.scatter [tilespmem:s6], [sflag:$0x3], $0x2000, $0x38;
	[tilespmem:$0x4800] =	vst v63  }
0xb8: {  	_ =	swait.ge [sflag:s3], $0x2000  }
0xb9: {  	[sflag:s3] =	ssyncset.done $0x0  }
0xba: {  	[sflag:s3] =	ssyncadd.s32 $0xFFFFE000  }
0xbb: {  	[tilespmem:s6], [sflag:$0x1] =	stream.indirect.gather [hbm4b:s4+s5], $0x40, s12, s5, $0xb8;
	[tilespmem:$0x4800] =	vst v63  }
0xbc: {  	_ =	swait.ge [sflag:s10], $0x2000  }
0xbd: {  	[sflag:s10] =	ssyncset.done $0x0  }
0xbe: {  	s0 =	rddreg [dreg:$0x9];
	[sflag:s10] =	ssyncadd.s32 $0xFFFFE000  }
0xbf: {  	[hbm4b:s0+s2] =	stream.linear.scatter [tilespmem:s7], [sflag:$0x3], $0x2000, $0x38;
	[tilespmem:$0x4800] =	vst v63  }
0xc0: {  	_ =	swait.ge [sflag:s3], $0x2000  }
0xc1: {  	[sflag:s3] =	ssyncset.done $0x0  }
0xc2: {  	[sflag:s3] =	ssyncadd.s32 $0xFFFFE000  }
0xc3: {  	[tilespmem:s7], [sflag:$0x2] =	stream.indirect.gather [hbm4b:s4+s5], $0x40, s13, s5, $0xb8;
	[tilespmem:$0x4800] =	vst v63  }
0xc4: {  	_ =	swait.ge [sflag:s8], $0x2000  }
0xc5: {  	[sflag:s8] =	ssyncset.done $0x0  }
0xc6: {  	s0 =	rddreg [dreg:$0xa];
	[sflag:s8] =	ssyncadd.s32 $0xFFFFE000  }
0xc7: {  	[hbm4b:s0+s2] =	stream.linear.scatter [tilespmem:s6], [sflag:$0x3], $0x2000, $0x38;
	[tilespmem:$0x4800] =	vst v63  }
0xc8: {  	_ =	swait.ge [sflag:s3], $0x2000  }
0xc9: {  	[sflag:s3] =	ssyncset.done $0x0  }
0xca: {  	[sflag:s3] =	ssyncadd.s32 $0xFFFFE000  }
0xcb: {  	[tilespmem:s6], [sflag:$0x1] =	stream.indirect.gather [hbm4b:s4+s5], $0x40, s14, s5, $0xb8;
	[tilespmem:$0x4800] =	vst v63  }
0xcc: {  	_ =	swait.ge [sflag:s10], $0x2000  }
0xcd: {  	[sflag:s10] =	ssyncset.done $0x0  }
0xce: {  	s0 =	rddreg [dreg:$0xb];
	[sflag:s10] =	ssyncadd.s32 $0xFFFFE000  }
0xcf: {  	[hbm4b:s0+s2] =	stream.linear.scatter [tilespmem:s7], [sflag:$0x3], $0x2000, $0x38;
	[tilespmem:$0x4800] =	vst v63  }
0xd0: {  	_ =	swait.ge [sflag:s3], $0x2000  }
0xd1: {  	[sflag:s3] =	ssyncset.done $0x0  }
0xd2: {  	[sflag:s3] =	ssyncadd.s32 $0xFFFFE000  }
0xd3: {  	[tilespmem:s7], [sflag:$0x2] =	stream.indirect.gather [hbm4b:s4+s5], $0x40, s15, s5, $0xb8;
	[tilespmem:$0x4800] =	vst v63  }
0xd4: {  	_ =	swait.ge [sflag:s8], $0x2000  }
0xd5: {  	[sflag:s8] =	ssyncset.done $0x0  }
0xd6: {  	s0 =	rddreg [dreg:$0xc];
	[sflag:s8] =	ssyncadd.s32 $0xFFFFE000  }
0xd7: {  	[hbm4b:s0+s2] =	stream.linear.scatter [tilespmem:s6], [sflag:$0x3], $0x2000, $0x38;
	[tilespmem:$0x4800] =	vst v63  }
0xd8: {  	_ =	swait.ge [sflag:s3], $0x2000  }
0xd9: {  	[sflag:s3] =	ssyncset.done $0x0  }
0xda: {  	[sflag:s3] =	ssyncadd.s32 $0xFFFFE000  }
0xdb: {  	[tilespmem:s6], [sflag:$0x1] =	stream.indirect.gather [hbm4b:s4+s5], $0x40, s16, s5, $0xb8;
	[tilespmem:$0x4800] =	vst v63  }
0xdc: {  	_ =	swait.ge [sflag:s10], $0x2000  }
0xdd: {  	[sflag:s10] =	ssyncset.done $0x0  }
0xde: {  	[sflag:s10] =	ssyncadd.s32 $0xFFFFE000  }
0xdf: {  	[hbm4b:s17+s2] =	stream.linear.scatter [tilespmem:s7], [sflag:$0x3], $0x2000, $0x38;
	[tilespmem:$0x4800] =	vst v63  }
0xe0: {  	_ =	swait.ge [sflag:s3], $0x2000  }
0xe1: {  	[sflag:s3] =	ssyncset.done $0x0  }
0xe2: {  	[sflag:s3] =	ssyncadd.s32 $0xFFFFE000  }
0xe3: {  	[tilespmem:s7], [sflag:$0x2] =	stream.indirect.gather [hbm4b:s4+s5], $0x40, s18, s5, $0xb8;
	[tilespmem:$0x4800] =	vst v63  }
0xe4: {  	_ =	swait.ge [sflag:s8], $0x2000  }
0xe5: {  	[sflag:s8] =	ssyncset.done $0x0  }
0xe6: {  	[sflag:s8] =	ssyncadd.s32 $0xFFFFE000  }
0xe7: {  	[hbm4b:s19+s2] =	stream.linear.scatter [tilespmem:s6], [sflag:$0x3], $0x2000, $0x38;
	[tilespmem:$0x4800] =	vst v63  }
0xe8: {  	_ =	swait.ge [sflag:s3], $0x2000  }
0xe9: {  	[sflag:s3] =	ssyncset.done $0x0  }
0xea: {  	[sflag:s3] =	ssyncadd.s32 $0xFFFFE000  }
0xeb: {  	[tilespmem:s6], [sflag:$0x1] =	stream.indirect.gather [hbm4b:s4+s5], $0x40, s20, s5, $0xb8;
	[tilespmem:$0x4800] =	vst v63  }
0xec: {  	_ =	swait.ge [sflag:s10], $0x2000  }
0xed: {  	[sflag:s10] =	ssyncset.done $0x0  }
0xee: {  	[sflag:s10] =	ssyncadd.s32 $0xFFFFE000  }
0xef: {  	[hbm4b:s21+s2] =	stream.linear.scatter [tilespmem:s7], [sflag:$0x3], $0x2000, $0x38;
	[tilespmem:$0x4800] =	vst v63  }
0xf0: {  	_ =	swait.ge [sflag:s3], $0x2000  }
0xf1: {  	[sflag:s3] =	ssyncset.done $0x0  }
0xf2: {  	[sflag:s3] =	ssyncadd.s32 $0xFFFFE000  }
0xf3: {  	[tilespmem:s7], [sflag:$0x2] =	stream.indirect.gather [hbm4b:s4+s5], $0x40, s22, s5, $0xb8;
	[tilespmem:$0x4800] =	vst v63  }
0xf4: {  	_ =	swait.ge [sflag:s8], $0x2000  }
0xf5: {  	[sflag:s8] =	ssyncset.done $0x0  }
0xf6: {  	[sflag:s8] =	ssyncadd.s32 $0xFFFFE000  }
0xf7: {  	[hbm4b:s23+s2] =	stream.linear.scatter [tilespmem:s6], [sflag:$0x3], $0x2000, $0x38;
	[tilespmem:$0x4800] =	vst v63  }
0xf8: {  	_ =	swait.ge [sflag:s3], $0x2000  }
0xf9: {  	[sflag:s3] =	ssyncset.done $0x0  }
0xfa: {  	[sflag:s3] =	ssyncadd.s32 $0xFFFFE000  }
0xfb: {  	[tilespmem:s6], [sflag:$0x1] =	stream.indirect.gather [hbm4b:s4+s5], $0x40, s24, s5, $0xb8;
	[tilespmem:$0x4800] =	vst v63  }
0xfc: {  	_ =	swait.ge [sflag:s10], $0x2000  }
0xfd: {  	[sflag:s10] =	ssyncset.done $0x0  }
0xfe: {  	[sflag:s10] =	ssyncadd.s32 $0xFFFFE000  }
0xff: {  	[hbm4b:s25+s2] =	stream.linear.scatter [tilespmem:s7], [sflag:$0x3], $0x2000, $0x38;
	[tilespmem:$0x4800] =	vst v63  }
0x100: {  	_ =	swait.ge [sflag:s3], $0x2000  }
0x101: {  	[sflag:s3] =	ssyncset.done $0x0  }
0x102: {  	[sflag:s3] =	ssyncadd.s32 $0xFFFFE000  }
0x103: {  	[tilespmem:s7], [sflag:$0x2] =	stream.indirect.gather [hbm4b:s4+s5], $0x40, s26, s5, $0xb8;
	[tilespmem:$0x4800] =	vst v63  }
0x104: {  	_ =	swait.ge [sflag:s8], $0x2000  }
0x105: {  	[sflag:s8] =	ssyncset.done $0x0  }
0x106: {  	[sflag:s8] =	ssyncadd.s32 $0xFFFFE000  }
0x107: {  	[hbm4b:s28+s2] =	stream.linear.scatter [tilespmem:s6], [sflag:$0x3], $0x2000, $0x38;
	[tilespmem:$0x4800] =	vst v63  }
0x108: {  	_ =	swait.ge [sflag:s3], $0x2000  }
0x109: {  	[sflag:s3] =	ssyncset.done $0x0  }
0x10a: {  	[sflag:s3] =	ssyncadd.s32 $0xFFFFE000  }
0x10b: {  	[tilespmem:s6], [sflag:$0x1] =	stream.indirect.gather [hbm4b:s4+s5], $0x40, s29, s5, $0xb8;
	[tilespmem:$0x4800] =	vst v63  }
0x10c: {  	_ =	swait.ge [sflag:s10], $0x2000  }
0x10d: {  	[sflag:s10] =	ssyncset.done $0x0  }
0x10e: {  	[sflag:s10] =	ssyncadd.s32 $0xFFFFE000  }
0x10f: {  	[hbm4b:s30+s2] =	stream.linear.scatter [tilespmem:s7], [sflag:$0x3], $0x2000, $0x38;
	[tilespmem:$0x4800] =	vst v63  }
0x110: {  	_ =	swait.ge [sflag:s3], $0x2000  }
0x111: {  	[sflag:s3] =	ssyncset.done $0x0  }
0x112: {  	[sflag:s3] =	ssyncadd.s32 $0xFFFFE000  }
0x113: {  	[tilespmem:s7], [sflag:$0x2] =	stream.indirect.gather [hbm4b:s4+s5], $0x40, s31, s5, $0xb8;
	[tilespmem:$0x4800] =	vst v63  }
0x114: {  	_ =	swait.ge [sflag:s8], $0x2000  }
0x115: {  	[sflag:s8] =	ssyncset.done $0x0  }
0x116: {  	s0 =	rddreg [dreg:$0x5];
	[sflag:s8] =	ssyncadd.s32 $0xFFFFE000  }
0x117: {  	[hbm4b:s0+s2] =	stream.linear.scatter [tilespmem:s6], [sflag:$0x3], $0x2000, $0x38;
	[tilespmem:$0x4800] =	vst v63  }
0x118: {  	_ =	swait.ge [sflag:s3], $0x2000  }
0x119: {  	[sflag:s3] =	ssyncset.done $0x0  }
0x11a: {  	p0 =	sne.s32 s1, $0x1;
	[sflag:s3] =	ssyncadd.s32 $0xFFFFE000  }
.Ltmp1:
0x11b: {  	_ =	swait.ge [sflag:s10], $0x2000;
	(pc) =	sbr.rel @p0 .LBB2_1-.Ltmp1, $4  }
0x11c: {  	[sflag:s10] =	ssyncset.done $0x0  }
0x11d: {  	s0 =	rddreg [dreg:$0x6];
	[sflag:s10] =	ssyncadd.s32 $0xFFFFE000  }
0x11e: {  	[hbm4b:s0+s2] =	stream.linear.scatter [tilespmem:s7], [sflag:$0x3], $0x2000, $0x38;
	[tilespmem:$0x4800] =	vst v63  }
0x11f: {  	s1 =	sadd.s32 $0xFFFFFFFF, s1;
	_ =	swait.ge [sflag:s3], $0x2000  }
.LBB2_2:
0x120: {  	[sflag:s3] =	ssyncset.done $0x0  }
0x121: {  	[sflag:s3] =	ssyncadd.s32 $0xFFFFE000  }
0x122: {  	_ =	sfence.sel $0x180000  }
0x123: {  	[bflag:$0x0] =	sbarrier.arrive $0xFFFF  }
0x124: {  	_ =	strace $0x90000047  }
0x125: {  	s0 =	stileid.u32;
	[bflag:$0x2] =	sbarrier.arrive $0xFFFF  }
0x126: {  	p0 =	sne.s32 s0, $0x0;
	s0 =	rddreg [dreg:$0x2]  }
0x127: {  	s0 =	sadd.s32 @!p0 $0x100000, s0  }
0x128: {  	[sflag:s0] =	ssyncadd.tile.s32 @!p0 $0x1;
	_ =	shalt  }
.Lfunc_end2:
_tile_overlayer_lowered:
.L_overlay_start_2:
0x129: {  	(tag) =	ssettag $0x2  }
0x12a: {  	s0 =	rddreg [dreg:$0x0];
	s2 =	stileid.u32  }
0x12b: {  	s1 =	rddreg [dreg:$0x1];
	p0 =	sne.s32 s2, $0x0  }
0x12c: {  	s3 =	rddreg [dreg:$0x2];
	[bflag:$0x3] =	sbarrier.arrive $0xFFFF;
	s2 =	simm.s32 @!p0 $0x1C03  }
0x12d: {  	[timem:s3], [sflag:s2] =	dma.local @!p0 [hbm:s0], s1  }
0x12e: {  	s0 =	simm.s32 @!p0 $0x3  }
0x12f: {  	_ =	swait.ge @!p0 [sflag:s0], s1  }
0x130: {  	s1 =	ssub.s32 @!p0 $0x0, s1;
	[sflag:s0] =	ssyncset.done @!p0 $0x0  }
0x131: {  	[sflag:s0] =	ssyncadd.s32 @!p0 s1  }
0x132: {  	[bflag:$0x3] =	sbarrier.arrive $0xFFFF  }
0x133: {  	_ =	shalt  }

// kernel: kernel.9.cloned.1.call-start
scs
__scs_entry_jumppad:
0x0: {  	(pc) =	sbr.rel $0x88, $3  }
0x1: {  	(tag) =	ssettag $0x0;
	lr =	simm.s32 $0x1  }
0x2: {  	[smem:$0x3F9F] =	sst lr;
	_ =	strace $0xD0000000  }
0x3: {  	_ = 	snop  }
0x4: {  	_ = 	snop  }
0x5: {  	_ = 	snop  }
0x6: {  	_ = 	snop  }
0x7: {  	_ = 	snop  }
__scs_overlays_trampoline_lowered:
0x8: {  	[smem:$0x3FAE] =	sst s0  }
0x9: {  	[smem:$0x3FAF] =	sst s1  }
0xa: {  	[smem:$0x3FB0] =	sst s2  }
0xb: {  	[smem:$0x3FB1] =	sst s3  }
0xc: {  	[smem:$0x3FB2] =	sst s4  }
0xd: {  	[smem:$0x3FB3] =	sst s5  }
0xe: {  	[smem:$0x3FB4] =	sst s6  }
0xf: {  	[smem:$0x3FB5] =	sst s7  }
0x10: {  	[smem:$0x3FB6] =	sst s8  }
0x11: {  	[smem:$0x3FB7] =	sst s9;
	s0 =	simm.s32 @!p0 $0x0  }
0x12: {  	s1 =	sld [smem:$0x3F9D];
	s0 =	simm.s32 @p0 $0x1  }
0x13: {  	[smem:$0x3FB8] =	sst s0;
	s0 =	simm.s32 @!p1 $0x0  }
0x14: {  	s2 =	sld [smem:$0x3F9C];
	s0 =	simm.s32 @p1 $0x1  }
0x15: {  	[smem:$0x3FB9] =	sst s0;
	s0 =	simm.s32 @!p2 $0x0  }
0x16: {  	s3 =	sld [smem:$0x3FDB];
	s0 =	simm.s32 @p2 $0x1  }
0x17: {  	s4 =	simm.s32 $0x1BF5;
	[smem:$0x3FBB] =	sst s0  }
0x18: {  	s0 =	sld [smem:$0x3F9E];
	_ =	swait.ge [sflag:s4], $0x0  }
0x19: {  	s7 =	sld [smem:$0x3F9F]  }
0x1a: {  	s8 =	sadd.s32 $0xFFFFE003, lr  }
0x1b: {  	s9 =	sadd.s32 $0xFFFFFEF7, lr;
	s5 =	simm.s32 $0xFFFFFFFF;
	p2 =	slt.u32 s8, $0xFFFFF086  }
0x1c: {  	p1 =	slt.u32 s9, $0xF7A;
	s5 =	simm.s32 @!p2 $0x0  }
0x1d: {  	s5 =	simm.s32 @p1 $0x1;
	p0 =	seq.s32 s7, s2  }
0x1e: {  	s7 =	smul.u32 @!p0 $0xF7A, s2;
	p2 =	seq.s32 @!p0 s5, $0x0  }
0x1f: {  	s9 =	smul.u32 $0xF7A, s1;
	s8 =	simm.s32 @!p0 $0x1BF5;
	p2 =	por !p2, p0  }
0x20: {  	[sflag:s8] =	ssyncset.s32 @!p0 $0xFFFFF086;
	s6 =	sadd.s32 @!p0 s3, s7;
	s7 =	simm.s32 @!p0 $0x108  }
0x21: {  	s3 =	sadd.s32 s3, s9;
	s6 =	sadd.s32 @!p0 $0x88, s6;
	s7 =	simm.s32 @p2 $0x1082  }
0x22: {  	[simem:s7], [sflag:s8] =	dma.local @!p0 [hbm:s6], $0xF7A  }
0x23: {  	s9 =	sor.u32 $0xD0000000, s2;
	s6 =	simm.s32 $0x108;
	_ =	swait.ge @!p0 [sflag:s8], $0x0  }
0x24: {  	s3 =	sadd.s32 $0x88, s3;
	s6 =	simm.s32 @!p1 $0x1082;
	[sflag:s4] =	ssyncset.s32 $0xFFFFF086  }
0x25: {  	[simem:s6], [sflag:s4] =	dma.local [hbm:s3], $0xF7A  }
0x26: {  	[smem:$0x3F9F] =	sst s1;
	(tag) =	ssettag s2;
	_ =	strace s9  }
0x27: {  	s1 =	sld [smem:$0x3FAF]  }
0x28: {  	s2 =	sld [smem:$0x3FB0]  }
0x29: {  	s4 =	sld [smem:$0x3FB2]  }
0x2a: {  	p0 =	seq.s32 s5, $0x0;
	s5 =	sld [smem:$0x3FB3]  }
0x2b: {  	s6 =	sld [smem:$0x3FB4]  }
0x2c: {  	s7 =	sld [smem:$0x3FB5]  }
0x2d: {  	s3 =	simm.s32 $0x108;
	s8 =	sld [smem:$0x3FB6]  }
0x2e: {  	s3 =	simm.s32 @!p0 $0x1082;
	s9 =	sld [smem:$0x3FB7]  }
0x2f: {  	lr =	sadd.s32 s0, s3;
	s0 =	sld [smem:$0x3FAE]  }
0x30: {  	s3 =	sld [smem:$0x3FB1]  }
0x31: {  	[smem:$0x3FBA] =	sst s10  }
0x32: {  	s10 =	sld [smem:$0x3FB8];
	_ =	sdelay $0x3  }
0x33: {  	p0 =	seq.s32 s10, $0x1;
	s10 =	sld [smem:$0x3FBA];
	_ =	sdelay $0x3  }
0x34: {  	[smem:$0x3FBA] =	sst s10  }
0x35: {  	s10 =	sld [smem:$0x3FB9];
	_ =	sdelay $0x3  }
0x36: {  	p1 =	seq.s32 s10, $0x1;
	s10 =	sld [smem:$0x3FBA];
	_ =	sdelay $0x3  }
0x37: {  	[smem:$0x3FBA] =	sst s10  }
0x38: {  	s10 =	sld [smem:$0x3FBB]  }
0x39: {  	_ = 	snop;
	(pc) =	sbr.ind lr, $3  }
0x3a: {  	_ = 	snop  }
0x3b: {  	_ = 	snop  }
0x3c: {  	p2 =	seq.s32 s10, $0x1;
	s10 =	sld [smem:$0x3FBA]  }
0x3d: {  	_ =	shalt  }
0x3e: {  	_ =	shalt  }
0x3f: {  	_ =	shalt  }
0x40: {  	_ =	shalt  }
0x41: {  	_ =	shalt  }
0x42: {  	_ =	shalt  }
0x43: {  	_ =	shalt  }
0x44: {  	_ =	shalt  }
0x45: {  	_ =	shalt  }
0x46: {  	_ =	shalt  }
0x47: {  	_ =	shalt  }
0x48: {  	_ =	shalt  }
0x49: {  	_ =	shalt  }
0x4a: {  	_ =	shalt  }
0x4b: {  	_ =	shalt  }
0x4c: {  	_ =	shalt  }
0x4d: {  	_ =	shalt  }
0x4e: {  	_ =	shalt  }
0x4f: {  	_ =	shalt  }
0x50: {  	_ =	shalt  }
0x51: {  	_ =	shalt  }
0x52: {  	_ =	shalt  }
0x53: {  	_ =	shalt  }
0x54: {  	_ =	shalt  }
0x55: {  	_ =	shalt  }
0x56: {  	_ =	shalt  }
0x57: {  	_ =	shalt  }
0x58: {  	_ =	shalt  }
0x59: {  	_ =	shalt  }
0x5a: {  	_ =	shalt  }
0x5b: {  	_ =	shalt  }
0x5c: {  	_ =	shalt  }
0x5d: {  	_ =	shalt  }
0x5e: {  	_ =	shalt  }
0x5f: {  	_ =	shalt  }
0x60: {  	_ =	shalt  }
0x61: {  	_ =	shalt  }
0x62: {  	_ =	shalt  }
0x63: {  	_ =	shalt  }
0x64: {  	_ =	shalt  }
0x65: {  	_ =	shalt  }
0x66: {  	_ =	shalt  }
0x67: {  	_ =	shalt  }
0x68: {  	_ =	shalt  }
0x69: {  	_ =	shalt  }
0x6a: {  	_ =	shalt  }
0x6b: {  	_ =	shalt  }
0x6c: {  	_ =	shalt  }
0x6d: {  	_ =	shalt  }
0x6e: {  	_ =	shalt  }
0x6f: {  	_ =	shalt  }
0x70: {  	_ =	shalt  }
0x71: {  	_ =	shalt  }
0x72: {  	_ =	shalt  }
0x73: {  	_ =	shalt  }
0x74: {  	_ =	shalt  }
0x75: {  	_ =	shalt  }
0x76: {  	_ =	shalt  }
0x77: {  	_ =	shalt  }
0x78: {  	_ =	shalt  }
0x79: {  	_ =	shalt  }
0x7a: {  	_ =	shalt  }
0x7b: {  	_ =	shalt  }
0x7c: {  	_ =	shalt  }
0x7d: {  	_ =	shalt  }
0x7e: {  	_ =	shalt  }
0x7f: {  	_ =	shalt  }
0x80: {  	_ =	shalt  }
0x81: {  	_ =	shalt  }
0x82: {  	_ =	shalt  }
0x83: {  	_ =	shalt  }
0x84: {  	_ =	shalt  }
0x85: {  	_ =	shalt  }
0x86: {  	_ =	shalt  }
0x87: {  	_ =	shalt  }
.Lfunc_end0:
.L_simem_size_0:
called_computation.1_lowered:
.L_overlay_start_0:
0x88: {  	s2 =	sld [smem:$0x3FD9]  }
0x89: {  	s3 =	sld [smem:$0x3FFE];
	_ =	sdelay $0x1  }
0x8a: {  	s1 =	srdreg.scid  }
0x8b: {  	s0 =	sand.u32 $0x1, s1  }
0x8c: {  	s17 =	sshll.u32 s0, $0xA;
	s2 =	sadd.s32 s3, s2  }
0x8d: {  	s2 =	sadd.s32 s2, s17  }
0x8e: {  	[smem:$0x3FC6] =	sst s2  }
0x8f: {  	_ = 	snop  }
0x90: {  	(tm) =	ssettm $0x1  }
0x91: {  	s18 =	sld [smem:$0x3FFB];
	_ =	sdelay $0x3  }
0x92: {  	_ =	strace s18  }
0x93: {  	s2 =	sld [smem:$0x3FFC];
	_ =	sdelay $0x3  }
0x94: {  	_ =	strace s2  }
0x95: {  	s2 =	sld [smem:$0x3FFD];
	_ =	sdelay $0x3  }
0x96: {  	_ =	strace s2  }
0x97: {  	_ =	strace $0x8FFFFFFF  }
0x98: {  	s19 =	sld [smem:$0x3FDB];
	_ =	sdelay $0x1  }
0x99: {  	s20 =	simm.s32 $_scs_section_size  }
0x9a: {  	s4 =	simm.s32 $_size__tile_overlayer_lowered;
	s5 =	simm.s32 $_tile_overlayer_lowered  }
0x9b: {  	s6 =	simm.s32 $0x1BFF;
	s21 =	sshll.u32 s5, $0x1;
	s3 =	sadd.s32 s20, s19  }
0x9c: {  	s22 =	simm.s32 $0x0;
	s4 =	sshll.u32 s4, $0x1;
	s5 =	sadd.s32 s21, s3  }
0x9d: {  	[timem:s22], [sflag:s6] =	dma.local [hbm:s5], s4  }
0x9e: {  	_ =	swait.ge [sflag:s6], s4  }
0x9f: {  	s4 =	ssub.s32 $0x0, s4;
	[sflag:s6] =	ssyncset.done $0x0  }
0xa0: {  	[sflag:s6] =	ssyncadd.s32 s4;
	_ =	sdelay $0x1  }
0xa1: {  	s23 =	simm.s32 $0x1B8B  }
0xa2: {  	_ =	swait.ge [sflag:s23], $0x1  }
0xa3: {  	[sflag:s23] =	ssyncset.done $0x0  }
0xa4: {  	[sflag:s23] =	ssyncadd.s32 $0xFFFFFFFF  }
0xa5: {  	s4 =	sld [smem:$0x0]  }
0xa6: {  	s5 =	sand.u32 $0xFFFFFFFE, s1  }
0xa7: {  	p0 =	sne.s32 s1, s5  }
0xa8: {  	s5 =	sshll.u32 @p0 s5, $0xE  }
0xa9: {  	s5 =	sadd.s32 @p0 $0x11B8D, s5;
	s6 =	sshll.u32 @p0 s4, $0x11  }
0xaa: {  	s5 =	sor.u32 @p0 s6, s5  }
0xab: {  	[sflag:s5] =	ssyncadd.remote.s32 @p0 $0x1;
	_ =	sdelay $0x1  }
0xac: {  	s5 =	simm.s32 @p0 $0x1B8D  }
0xad: {  	_ =	swait.eq @p0 [sflag:s5], $0x1  }
0xae: {  	[sflag:s5] =	ssyncadd.s32 @p0 $0xFFFFFFFF  }
0xaf: {  	s6 =	sshll.u32 @!p0 s1, $0xE  }
0xb0: {  	s6 =	sor.u32 @!p0 $0x4000, s6;
	s5 =	simm.s32 @!p0 $0x1B8D  }
0xb1: {  	s4 =	sshll.u32 @!p0 s4, $0x11;
	s6 =	sadd.s32 @!p0 $0x11B8D, s6;
	_ =	swait.eq @!p0 [sflag:s5], $0x1  }
0xb2: {  	s4 =	sor.u32 @!p0 s4, s6;
	[sflag:s5] =	ssyncadd.s32 @!p0 $0xFFFFFFFF  }
0xb3: {  	s25 =	simm.s32 $0x1B8E;
	s24 =	sld [smem:$0x3FFE];
	[sflag:s4] =	ssyncadd.remote.s32 @!p0 $0x1  }
0xb4: {  	s26 =	simm.s32 $execute0_lowered;
	[smem:$0x3FD2] =	sst s25  }
0xb5: {  	s5 =	sshll.u32 s26, $0x1;
	_ =	strace $0x80000049;
	[dreg:$0x1] =	wrdreg $0xFFFFFFFF  }
0xb6: {  	s28 =	simm.s32 $_size_execute0_lowered;
	s3 =	sadd.s32 s3, s5;
	[dreg:$0x0] =	wrdreg $0x0  }
0xb7: {  	s5 =	sshll.u32 s28, $0x1;
	[dreg:$0x2] =	wrdreg s3  }
0xb8: {  	[dreg:$0x3] =	wrdreg s5  }
0xb9: {  	[dreg:$0x4] =	wrdreg $0xC0  }
0xba: {  	_ =	task [dreg:s22], $0x5FFFF  }
0xbb: {  	[dreg:$0x1] =	wrdreg $0xFFFFFFFF  }
0xbc: {  	[dreg:$0x0] =	wrdreg $0x60  }
0xbd: {  	[dreg:$0x2] =	wrdreg s24  }
0xbe: {  	[dreg:$0x3] =	wrdreg $0xA  }
0xbf: {  	_ =	task.clear_ibuf [dreg:s22], $0x4FFFF;
	_ =	strace $0x90000049  }
0xc0: {  	s29 =	simm.s32 $0xA;
	_ =	strace $0x8000004B  }
0xc1: {  	_ =	swait.ge [sflag:s29], $0x1  }
0xc2: {  	[sflag:s29] =	ssyncadd.s32 $0xFFFFFFFF  }
0xc3: {  	_ =	strace $0x9000004B  }
0xc4: {  	_ =	sfence  }
0xc5: {  	s30 =	sld [smem:$0x0];
	_ =	sdelay $0x2  }
0xc6: {  	s31 =	sshll.u32 s1, $0xD;
	s1 =	sshrl.u32 s1, $0x2  }
0xc7: {  	s4 =	sand.u32 $0x4000, s31;
	s1 =	sadd.s32 s1, s30  }
0xc8: {  	s0 =	sor.u32 s4, s0;
	s1 =	sshll.u32 s1, $0x11  }
0xc9: {  	s0 =	sor.u32 s1, s0  }
0xca: {  	s0 =	sadd.s32 $0x8F2B, s0  }
0xcb: {  	[sflag:s0] =	ssyncadd.remote.s32 $0x1  }
0xcc: {  	_ =	sfence.sel $0xFFFF  }
0xcd: {  	[dreg:$0x0] =	wrdreg $0xFFFFFFFF;
	(pc) =	sbr.abs _section_cstart, $3  }
0xce: {  	[dreg:$0x1] =	wrdreg $0xFFFFFFFF  }
0xcf: {  	_ =	task.clear_ibuf [dreg:s22], $0x2FFFF;
	_ =	strace $0x9FFFFFFF  }
0xd0: {  	(tm) =	ssettm $0x7FFFFFFF  }
0xd1: {  	_ =	shalt  }
tec
execute0_lowered:
.L_overlay_start_1:
0x0: {  	(tag) =	ssettag $0x1  }
0x1: {  	s1 =	srdreg.scid  }
0x2: {  	s0 =	stileid.u32;
	s1 =	sand.u32 $0x1, s1  }
0x3: {  	s2 =	sshll.u32 s0, $0xC;
	s3 =	sshll.u32 s1, $0xB  }
0x4: {  	s3 =	sor.u32 s3, s2  }
0x5: {  	s4 =	rddreg [dreg:$0x0];
	s5 =	sshrl.u32 s3, $0x3  }
0x6: {  	s2 =	simm.s32 $0x0;
	s3 =	sshll.u32 s3, $0x3;
	s5 =	sadd.s32 s5, s4  }
0x7: {  	[smem:$0x7FF] =	sst s2;
	s30 =	sadd.s32 s3, s4;
	s16 =	sadd.s32 $0x82200, s5  }
0x8: {  	_ =	strace $0x8000004A;
	s17 =	sadd.s32 $0x84200, s30;
	[dreg:$0x2] =	wrdreg s16  }
0x9: {  	s18 =	sadd.s32 $0x87A00, s30;
	[dreg:$0x3] =	wrdreg s17  }
0xa: {  	s19 =	sadd.s32 $0x87E00, s30;
	[dreg:$0x4] =	wrdreg s18  }
0xb: {  	s20 =	sadd.s32 $0x84600, s30;
	[dreg:$0x5] =	wrdreg s19  }
0xc: {  	s21 =	sadd.s32 $0x84A00, s30;
	[dreg:$0x6] =	wrdreg s20  }
0xd: {  	s22 =	sadd.s32 $0x84E00, s30;
	[dreg:$0x7] =	wrdreg s21  }
0xe: {  	s23 =	sadd.s32 $0x85200, s30;
	[dreg:$0x8] =	wrdreg s22  }
0xf: {  	s24 =	sadd.s32 $0x85600, s30;
	[dreg:$0x9] =	wrdreg s23  }
0x10: {  	s26 =	sadd.s32 $0x85A00, s30;
	[dreg:$0xa] =	wrdreg s24  }
0x11: {  	[dreg:$0xb] =	wrdreg s26  }
0x12: {  	s3 =	simm.s32 $0x3;
	s25 =	rddreg [dreg:$0x2]  }
0x13: {  	[tilespmem:s2], [sflag:$0x3] =	stream.linear.gather [hbm4b:s25+s2], $0x800, $0x38;
	[tilespmem:$0x4800] =	vst v63  }
0x14: {  	_ =	swait.ge [sflag:s3], $0x800  }
0x15: {  	s6 =	simm.s32 $0x800;
	[sflag:s3] =	ssyncset.done $0x0  }
0x16: {  	s4 =	sadd.s32 $0x200, s4;
	s5 =	simm.s32 $0x80;
	[sflag:s3] =	ssyncadd.s32 $0xFFFFF800  }
0x17: {  	[tilespmem:s6], [sflag:$0x1] =	stream.indirect.gather [hbm4b:s4+s5], $0x40, s2, s5, $0xb8;
	[tilespmem:$0x4800] =	vst v63  }
0x18: {  	s7 =	simm.s32 $0x2800;
	s8 =	simm.s32 $0x1  }
0x19: {  	[tilespmem:s7], [sflag:$0x2] =	stream.indirect.gather [hbm4b:s4+s5], $0x40, s5, s5, $0xb8;
	[tilespmem:$0x4800] =	vst v63  }
0x1a: {  	_ =	swait.ge [sflag:s8], $0x2000  }
0x1b: {  	[sflag:s8] =	ssyncset.done $0x0  }
0x1c: {  	s9 =	rddreg [dreg:$0x3];
	[sflag:s8] =	ssyncadd.s32 $0xFFFFE000  }
0x1d: {  	[hbm4b:s9+s2] =	stream.linear.scatter [tilespmem:s6], [sflag:$0x3], $0x2000, $0x38;
	[tilespmem:$0x4800] =	vst v63  }
0x1e: {  	_ =	swait.ge [sflag:s3], $0x2000  }
0x1f: {  	[sflag:s3] =	ssyncset.done $0x0  }
0x20: {  	s10 =	simm.s32 $0x2;
	s9 =	simm.s32 $0x100;
	[sflag:s3] =	ssyncadd.s32 $0xFFFFE000  }
0x21: {  	[tilespmem:s6], [sflag:$0x1] =	stream.indirect.gather [hbm4b:s4+s5], $0x40, s9, s5, $0xb8;
	[tilespmem:$0x4800] =	vst v63  }
0x22: {  	_ =	swait.ge [sflag:s10], $0x2000  }
0x23: {  	[sflag:s10] =	ssyncset.done $0x0  }
0x24: {  	s11 =	rddreg [dreg:$0x6];
	[sflag:s10] =	ssyncadd.s32 $0xFFFFE000  }
0x25: {  	[hbm4b:s11+s2] =	stream.linear.scatter [tilespmem:s7], [sflag:$0x3], $0x2000, $0x38;
	[tilespmem:$0x4800] =	vst v63  }
0x26: {  	_ =	swait.ge [sflag:s3], $0x2000  }
0x27: {  	[sflag:s3] =	ssyncset.done $0x0  }
0x28: {  	s11 =	simm.s32 $0x180;
	[sflag:s3] =	ssyncadd.s32 $0xFFFFE000  }
0x29: {  	[tilespmem:s7], [sflag:$0x2] =	stream.indirect.gather [hbm4b:s4+s5], $0x40, s11, s5, $0xb8;
	[tilespmem:$0x4800] =	vst v63  }
0x2a: {  	_ =	swait.ge [sflag:s8], $0x2000  }
0x2b: {  	[sflag:s8] =	ssyncset.done $0x0  }
0x2c: {  	s12 =	rddreg [dreg:$0x7];
	[sflag:s8] =	ssyncadd.s32 $0xFFFFE000  }
0x2d: {  	[hbm4b:s12+s2] =	stream.linear.scatter [tilespmem:s6], [sflag:$0x3], $0x2000, $0x38;
	[tilespmem:$0x4800] =	vst v63  }
0x2e: {  	_ =	swait.ge [sflag:s3], $0x2000  }
0x2f: {  	[sflag:s3] =	ssyncset.done $0x0  }
0x30: {  	s12 =	simm.s32 $0x200;
	[sflag:s3] =	ssyncadd.s32 $0xFFFFE000  }
0x31: {  	[tilespmem:s6], [sflag:$0x1] =	stream.indirect.gather [hbm4b:s4+s5], $0x40, s12, s5, $0xb8;
	[tilespmem:$0x4800] =	vst v63  }
0x32: {  	_ =	swait.ge [sflag:s10], $0x2000  }
0x33: {  	[sflag:s10] =	ssyncset.done $0x0  }
0x34: {  	s13 =	rddreg [dreg:$0x8];
	[sflag:s10] =	ssyncadd.s32 $0xFFFFE000  }
0x35: {  	[hbm4b:s13+s2] =	stream.linear.scatter [tilespmem:s7], [sflag:$0x3], $0x2000, $0x38;
	[tilespmem:$0x4800] =	vst v63  }
0x36: {  	_ =	swait.ge [sflag:s3], $0x2000  }
0x37: {  	[sflag:s3] =	ssyncset.done $0x0  }
0x38: {  	s13 =	simm.s32 $0x280;
	[sflag:s3] =	ssyncadd.s32 $0xFFFFE000  }
0x39: {  	[tilespmem:s7], [sflag:$0x2] =	stream.indirect.gather [hbm4b:s4+s5], $0x40, s13, s5, $0xb8;
	[tilespmem:$0x4800] =	vst v63  }
0x3a: {  	_ =	swait.ge [sflag:s8], $0x2000  }
0x3b: {  	[sflag:s8] =	ssyncset.done $0x0  }
0x3c: {  	s14 =	rddreg [dreg:$0x9];
	[sflag:s8] =	ssyncadd.s32 $0xFFFFE000  }
0x3d: {  	[hbm4b:s14+s2] =	stream.linear.scatter [tilespmem:s6], [sflag:$0x3], $0x2000, $0x38;
	[tilespmem:$0x4800] =	vst v63  }
0x3e: {  	_ =	swait.ge [sflag:s3], $0x2000  }
0x3f: {  	[sflag:s3] =	ssyncset.done $0x0  }
0x40: {  	s14 =	simm.s32 $0x300;
	[sflag:s3] =	ssyncadd.s32 $0xFFFFE000  }
0x41: {  	[tilespmem:s6], [sflag:$0x1] =	stream.indirect.gather [hbm4b:s4+s5], $0x40, s14, s5, $0xb8;
	[tilespmem:$0x4800] =	vst v63  }
0x42: {  	_ =	swait.ge [sflag:s10], $0x2000  }
0x43: {  	[sflag:s10] =	ssyncset.done $0x0  }
0x44: {  	s15 =	rddreg [dreg:$0xa];
	[sflag:s10] =	ssyncadd.s32 $0xFFFFE000  }
0x45: {  	[hbm4b:s15+s2] =	stream.linear.scatter [tilespmem:s7], [sflag:$0x3], $0x2000, $0x38;
	[tilespmem:$0x4800] =	vst v63  }
0x46: {  	_ =	swait.ge [sflag:s3], $0x2000  }
0x47: {  	[sflag:s3] =	ssyncset.done $0x0  }
0x48: {  	s15 =	simm.s32 $0x380;
	[sflag:s3] =	ssyncadd.s32 $0xFFFFE000  }
0x49: {  	[tilespmem:s7], [sflag:$0x2] =	stream.indirect.gather [hbm4b:s4+s5], $0x40, s15, s5, $0xb8;
	[tilespmem:$0x4800] =	vst v63  }
0x4a: {  	_ =	swait.ge [sflag:s8], $0x2000  }
0x4b: {  	[sflag:s8] =	ssyncset.done $0x0  }
0x4c: {  	s16 =	rddreg [dreg:$0xb];
	[sflag:s8] =	ssyncadd.s32 $0xFFFFE000  }
0x4d: {  	[hbm4b:s16+s2] =	stream.linear.scatter [tilespmem:s6], [sflag:$0x3], $0x2000, $0x38;
	[tilespmem:$0x4800] =	vst v63  }
0x4e: {  	_ =	swait.ge [sflag:s3], $0x2000  }
0x4f: {  	[sflag:s3] =	ssyncset.done $0x0  }
0x50: {  	s16 =	simm.s32 $0x400;
	[sflag:s3] =	ssyncadd.s32 $0xFFFFE000  }
0x51: {  	[tilespmem:s6], [sflag:$0x1] =	stream.indirect.gather [hbm4b:s4+s5], $0x40, s16, s5, $0xb8;
	[tilespmem:$0x4800] =	vst v63  }
0x52: {  	_ =	swait.ge [sflag:s10], $0x2000  }
0x53: {  	[sflag:s10] =	ssyncset.done $0x0  }
0x54: {  	s17 =	sadd.s32 $0x85E00, s30;
	[sflag:s10] =	ssyncadd.s32 $0xFFFFE000  }
0x55: {  	[hbm4b:s17+s2] =	stream.linear.scatter [tilespmem:s7], [sflag:$0x3], $0x2000, $0x38;
	[tilespmem:$0x4800] =	vst v63  }
0x56: {  	_ =	swait.ge [sflag:s3], $0x2000  }
0x57: {  	[sflag:s3] =	ssyncset.done $0x0  }
0x58: {  	s18 =	simm.s32 $0x480;
	[sflag:s3] =	ssyncadd.s32 $0xFFFFE000  }
0x59: {  	[tilespmem:s7], [sflag:$0x2] =	stream.indirect.gather [hbm4b:s4+s5], $0x40, s18, s5, $0xb8;
	[tilespmem:$0x4800] =	vst v63  }
0x5a: {  	_ =	swait.ge [sflag:s8], $0x2000  }
0x5b: {  	[sflag:s8] =	ssyncset.done $0x0  }
0x5c: {  	s19 =	sadd.s32 $0x86200, s30;
	[sflag:s8] =	ssyncadd.s32 $0xFFFFE000  }
0x5d: {  	[hbm4b:s19+s2] =	stream.linear.scatter [tilespmem:s6], [sflag:$0x3], $0x2000, $0x38;
	[tilespmem:$0x4800] =	vst v63  }
0x5e: {  	_ =	swait.ge [sflag:s3], $0x2000  }
0x5f: {  	[sflag:s3] =	ssyncset.done $0x0  }
0x60: {  	s20 =	simm.s32 $0x500;
	[sflag:s3] =	ssyncadd.s32 $0xFFFFE000  }
0x61: {  	[tilespmem:s6], [sflag:$0x1] =	stream.indirect.gather [hbm4b:s4+s5], $0x40, s20, s5, $0xb8;
	[tilespmem:$0x4800] =	vst v63  }
0x62: {  	_ =	swait.ge [sflag:s10], $0x2000  }
0x63: {  	[sflag:s10] =	ssyncset.done $0x0  }
0x64: {  	s21 =	sadd.s32 $0x86600, s30;
	[sflag:s10] =	ssyncadd.s32 $0xFFFFE000  }
0x65: {  	[hbm4b:s21+s2] =	stream.linear.scatter [tilespmem:s7], [sflag:$0x3], $0x2000, $0x38;
	[tilespmem:$0x4800] =	vst v63  }
0x66: {  	_ =	swait.ge [sflag:s3], $0x2000  }
0x67: {  	[sflag:s3] =	ssyncset.done $0x0  }
0x68: {  	s22 =	simm.s32 $0x580;
	[sflag:s3] =	ssyncadd.s32 $0xFFFFE000  }
0x69: {  	[tilespmem:s7], [sflag:$0x2] =	stream.indirect.gather [hbm4b:s4+s5], $0x40, s22, s5, $0xb8;
	[tilespmem:$0x4800] =	vst v63  }
0x6a: {  	_ =	swait.ge [sflag:s8], $0x2000  }
0x6b: {  	[sflag:s8] =	ssyncset.done $0x0  }
0x6c: {  	s23 =	sadd.s32 $0x86A00, s30;
	[sflag:s8] =	ssyncadd.s32 $0xFFFFE000  }
0x6d: {  	[hbm4b:s23+s2] =	stream.linear.scatter [tilespmem:s6], [sflag:$0x3], $0x2000, $0x38;
	[tilespmem:$0x4800] =	vst v63  }
0x6e: {  	_ =	swait.ge [sflag:s3], $0x2000  }
0x6f: {  	[sflag:s3] =	ssyncset.done $0x0  }
0x70: {  	s24 =	simm.s32 $0x600;
	[sflag:s3] =	ssyncadd.s32 $0xFFFFE000  }
0x71: {  	[tilespmem:s6], [sflag:$0x1] =	stream.indirect.gather [hbm4b:s4+s5], $0x40, s24, s5, $0xb8;
	[tilespmem:$0x4800] =	vst v63  }
0x72: {  	_ =	swait.ge [sflag:s10], $0x2000  }
0x73: {  	[sflag:s10] =	ssyncset.done $0x0  }
0x74: {  	s25 =	sadd.s32 $0x86E00, s30;
	[sflag:s10] =	ssyncadd.s32 $0xFFFFE000  }
0x75: {  	[hbm4b:s25+s2] =	stream.linear.scatter [tilespmem:s7], [sflag:$0x3], $0x2000, $0x38;
	[tilespmem:$0x4800] =	vst v63  }
0x76: {  	_ =	swait.ge [sflag:s3], $0x2000  }
0x77: {  	[sflag:s3] =	ssyncset.done $0x0  }
0x78: {  	s26 =	simm.s32 $0x680;
	[sflag:s3] =	ssyncadd.s32 $0xFFFFE000  }
0x79: {  	[tilespmem:s7], [sflag:$0x2] =	stream.indirect.gather [hbm4b:s4+s5], $0x40, s26, s5, $0xb8;
	[tilespmem:$0x4800] =	vst v63  }
0x7a: {  	_ =	swait.ge [sflag:s8], $0x2000  }
0x7b: {  	[sflag:s8] =	ssyncset.done $0x0  }
0x7c: {  	s28 =	sadd.s32 $0x87200, s30;
	[sflag:s8] =	ssyncadd.s32 $0xFFFFE000  }
0x7d: {  	[hbm4b:s28+s2] =	stream.linear.scatter [tilespmem:s6], [sflag:$0x3], $0x2000, $0x38;
	[tilespmem:$0x4800] =	vst v63  }
0x7e: {  	_ =	swait.ge [sflag:s3], $0x2000  }
0x7f: {  	[sflag:s3] =	ssyncset.done $0x0  }
0x80: {  	s29 =	simm.s32 $0x700;
	[sflag:s3] =	ssyncadd.s32 $0xFFFFE000  }
0x81: {  	[tilespmem:s6], [sflag:$0x1] =	stream.indirect.gather [hbm4b:s4+s5], $0x40, s29, s5, $0xb8;
	[tilespmem:$0x4800] =	vst v63  }
0x82: {  	_ =	swait.ge [sflag:s10], $0x2000  }
0x83: {  	[sflag:s10] =	ssyncset.done $0x0  }
0x84: {  	s30 =	sadd.s32 $0x87600, s30;
	[sflag:s10] =	ssyncadd.s32 $0xFFFFE000  }
0x85: {  	[hbm4b:s30+s2] =	stream.linear.scatter [tilespmem:s7], [sflag:$0x3], $0x2000, $0x38;
	[tilespmem:$0x4800] =	vst v63  }
0x86: {  	_ =	swait.ge [sflag:s3], $0x2000  }
0x87: {  	[sflag:s3] =	ssyncset.done $0x0  }
0x88: {  	s31 =	simm.s32 $0x780;
	[sflag:s3] =	ssyncadd.s32 $0xFFFFE000  }
0x89: {  	[tilespmem:s7], [sflag:$0x2] =	stream.indirect.gather [hbm4b:s4+s5], $0x40, s31, s5, $0xb8;
	[tilespmem:$0x4800] =	vst v63  }
0x8a: {  	_ =	swait.ge [sflag:s8], $0x2000  }
0x8b: {  	[sflag:s8] =	ssyncset.done $0x0  }
0x8c: {  	s0 =	rddreg [dreg:$0x4];
	[sflag:s8] =	ssyncadd.s32 $0xFFFFE000  }
0x8d: {  	[hbm4b:s0+s2] =	stream.linear.scatter [tilespmem:s6], [sflag:$0x3], $0x2000, $0x38;
	[tilespmem:$0x4800] =	vst v63  }
0x8e: {  	_ =	swait.ge [sflag:s3], $0x2000  }
0x8f: {  	[sflag:s3] =	ssyncset.done $0x0  }
0x90: {  	[sflag:s3] =	ssyncadd.s32 $0xFFFFE000  }
0x91: {  	_ =	swait.ge [sflag:s10], $0x2000  }
0x92: {  	s0 =	ssub.s32 $0x2, s1;
	s1 =	rddreg [dreg:$0x5]  }
0x93: {  	[dreg:$0xc] =	wrdreg s1;
	s1 =	sshrl.u32 s0, $0x1  }
0x94: {  	s0 =	ssub.s32 s0, s1  }
0x95: {  	s0 =	smax.u32 s0, $0x1  }
0x96: {  	p0 =	sne.s32 s0, $0x1  }
.Ltmp0:
0x97: {  	_ = 	snop;
	(pc) =	sbr.rel @!p0 .LBB2_2-.Ltmp0, $4  }
0x98: {  	[sflag:s10] =	ssyncset.done $0x0  }
0x99: {  	[sflag:s10] =	ssyncadd.s32 $0xFFFFE000;
	s1 =	rddreg [dreg:$0xc]  }
0x9a: {  	[hbm4b:s1+s2] =	stream.linear.scatter [tilespmem:s7], [sflag:$0x3], $0x2000, $0x38;
	[tilespmem:$0x4800] =	vst v63  }
0x9b: {  	s1 =	sadd.s32 $0xFFFFFFFF, s0;
	_ =	swait.ge [sflag:s3], $0x2000  }
.LBB2_1:
0x9c: {  	[sflag:s3] =	ssyncset.done $0x0  }
0x9d: {  	s0 =	rddreg [dreg:$0x2];
	[sflag:s3] =	ssyncadd.s32 $0xFFFFE000  }
0x9e: {  	[tilespmem:s2], [sflag:$0x3] =	stream.linear.gather [hbm4b:s0+s2], $0x800, $0x38;
	[tilespmem:$0x4800] =	vst v63  }
0x9f: {  	_ =	swait.ge [sflag:s3], $0x800  }
0xa0: {  	[sflag:s3] =	ssyncset.done $0x0  }
0xa1: {  	[sflag:s3] =	ssyncadd.s32 $0xFFFFF800  }
0xa2: {  	[tilespmem:s6], [sflag:$0x1] =	stream.indirect.gather [hbm4b:s4+s5], $0x40, s2, s5, $0xb8;
	[tilespmem:$0x4800] =	vst v63  }
0xa3: {  	_ = 	snop  }
0xa4: {  	[tilespmem:s7], [sflag:$0x2] =	stream.indirect.gather [hbm4b:s4+s5], $0x40, s5, s5, $0xb8;
	[tilespmem:$0x4800] =	vst v63  }
0xa5: {  	_ =	swait.ge [sflag:s8], $0x2000  }
0xa6: {  	[sflag:s8] =	ssyncset.done $0x0  }
0xa7: {  	s0 =	rddreg [dreg:$0x3];
	[sflag:s8] =	ssyncadd.s32 $0xFFFFE000  }
0xa8: {  	[hbm4b:s0+s2] =	stream.linear.scatter [tilespmem:s6], [sflag:$0x3], $0x2000, $0x38;
	[tilespmem:$0x4800] =	vst v63  }
0xa9: {  	_ =	swait.ge [sflag:s3], $0x2000  }
0xaa: {  	[sflag:s3] =	ssyncset.done $0x0  }
0xab: {  	[sflag:s3] =	ssyncadd.s32 $0xFFFFE000  }
0xac: {  	[tilespmem:s6], [sflag:$0x1] =	stream.indirect.gather [hbm4b:s4+s5], $0x40, s9, s5, $0xb8;
	[tilespmem:$0x4800] =	vst v63  }
0xad: {  	_ =	swait.ge [sflag:s10], $0x2000  }
0xae: {  	[sflag:s10] =	ssyncset.done $0x0  }
0xaf: {  	s0 =	rddreg [dreg:$0x6];
	[sflag:s10] =	ssyncadd.s32 $0xFFFFE000  }
0xb0: {  	[hbm4b:s0+s2] =	stream.linear.scatter [tilespmem:s7], [sflag:$0x3], $0x2000, $0x38;
	[tilespmem:$0x4800] =	vst v63  }
0xb1: {  	_ =	swait.ge [sflag:s3], $0x2000  }
0xb2: {  	[sflag:s3] =	ssyncset.done $0x0  }
0xb3: {  	[sflag:s3] =	ssyncadd.s32 $0xFFFFE000  }
0xb4: {  	[tilespmem:s7], [sflag:$0x2] =	stream.indirect.gather [hbm4b:s4+s5], $0x40, s11, s5, $0xb8;
	[tilespmem:$0x4800] =	vst v63  }
0xb5: {  	_ =	swait.ge [sflag:s8], $0x2000  }
0xb6: {  	[sflag:s8] =	ssyncset.done $0x0  }
0xb7: {  	s0 =	rddreg [dreg:$0x7];
	[sflag:s8] =	ssyncadd.s32 $0xFFFFE000  }
0xb8: {  	[hbm4b:s0+s2] =	stream.linear.scatter [tilespmem:s6], [sflag:$0x3], $0x2000, $0x38;
	[tilespmem:$0x4800] =	vst v63  }
0xb9: {  	_ =	swait.ge [sflag:s3], $0x2000  }
0xba: {  	[sflag:s3] =	ssyncset.done $0x0  }
0xbb: {  	[sflag:s3] =	ssyncadd.s32 $0xFFFFE000  }
0xbc: {  	[tilespmem:s6], [sflag:$0x1] =	stream.indirect.gather [hbm4b:s4+s5], $0x40, s12, s5, $0xb8;
	[tilespmem:$0x4800] =	vst v63  }
0xbd: {  	_ =	swait.ge [sflag:s10], $0x2000  }
0xbe: {  	[sflag:s10] =	ssyncset.done $0x0  }
0xbf: {  	s0 =	rddreg [dreg:$0x8];
	[sflag:s10] =	ssyncadd.s32 $0xFFFFE000  }
0xc0: {  	[hbm4b:s0+s2] =	stream.linear.scatter [tilespmem:s7], [sflag:$0x3], $0x2000, $0x38;
	[tilespmem:$0x4800] =	vst v63  }
0xc1: {  	_ =	swait.ge [sflag:s3], $0x2000  }
0xc2: {  	[sflag:s3] =	ssyncset.done $0x0  }
0xc3: {  	[sflag:s3] =	ssyncadd.s32 $0xFFFFE000  }
0xc4: {  	[tilespmem:s7], [sflag:$0x2] =	stream.indirect.gather [hbm4b:s4+s5], $0x40, s13, s5, $0xb8;
	[tilespmem:$0x4800] =	vst v63  }
0xc5: {  	_ =	swait.ge [sflag:s8], $0x2000  }
0xc6: {  	[sflag:s8] =	ssyncset.done $0x0  }
0xc7: {  	s0 =	rddreg [dreg:$0x9];
	[sflag:s8] =	ssyncadd.s32 $0xFFFFE000  }
0xc8: {  	[hbm4b:s0+s2] =	stream.linear.scatter [tilespmem:s6], [sflag:$0x3], $0x2000, $0x38;
	[tilespmem:$0x4800] =	vst v63  }
0xc9: {  	_ =	swait.ge [sflag:s3], $0x2000  }
0xca: {  	[sflag:s3] =	ssyncset.done $0x0  }
0xcb: {  	[sflag:s3] =	ssyncadd.s32 $0xFFFFE000  }
0xcc: {  	[tilespmem:s6], [sflag:$0x1] =	stream.indirect.gather [hbm4b:s4+s5], $0x40, s14, s5, $0xb8;
	[tilespmem:$0x4800] =	vst v63  }
0xcd: {  	_ =	swait.ge [sflag:s10], $0x2000  }
0xce: {  	[sflag:s10] =	ssyncset.done $0x0  }
0xcf: {  	s0 =	rddreg [dreg:$0xa];
	[sflag:s10] =	ssyncadd.s32 $0xFFFFE000  }
0xd0: {  	[hbm4b:s0+s2] =	stream.linear.scatter [tilespmem:s7], [sflag:$0x3], $0x2000, $0x38;
	[tilespmem:$0x4800] =	vst v63  }
0xd1: {  	_ =	swait.ge [sflag:s3], $0x2000  }
0xd2: {  	[sflag:s3] =	ssyncset.done $0x0  }
0xd3: {  	[sflag:s3] =	ssyncadd.s32 $0xFFFFE000  }
0xd4: {  	[tilespmem:s7], [sflag:$0x2] =	stream.indirect.gather [hbm4b:s4+s5], $0x40, s15, s5, $0xb8;
	[tilespmem:$0x4800] =	vst v63  }
0xd5: {  	_ =	swait.ge [sflag:s8], $0x2000  }
0xd6: {  	[sflag:s8] =	ssyncset.done $0x0  }
0xd7: {  	s0 =	rddreg [dreg:$0xb];
	[sflag:s8] =	ssyncadd.s32 $0xFFFFE000  }
0xd8: {  	[hbm4b:s0+s2] =	stream.linear.scatter [tilespmem:s6], [sflag:$0x3], $0x2000, $0x38;
	[tilespmem:$0x4800] =	vst v63  }
0xd9: {  	_ =	swait.ge [sflag:s3], $0x2000  }
0xda: {  	[sflag:s3] =	ssyncset.done $0x0  }
0xdb: {  	[sflag:s3] =	ssyncadd.s32 $0xFFFFE000  }
0xdc: {  	[tilespmem:s6], [sflag:$0x1] =	stream.indirect.gather [hbm4b:s4+s5], $0x40, s16, s5, $0xb8;
	[tilespmem:$0x4800] =	vst v63  }
0xdd: {  	_ =	swait.ge [sflag:s10], $0x2000  }
0xde: {  	[sflag:s10] =	ssyncset.done $0x0  }
0xdf: {  	[sflag:s10] =	ssyncadd.s32 $0xFFFFE000  }
0xe0: {  	[hbm4b:s17+s2] =	stream.linear.scatter [tilespmem:s7], [sflag:$0x3], $0x2000, $0x38;
	[tilespmem:$0x4800] =	vst v63  }
0xe1: {  	_ =	swait.ge [sflag:s3], $0x2000  }
0xe2: {  	[sflag:s3] =	ssyncset.done $0x0  }
0xe3: {  	[sflag:s3] =	ssyncadd.s32 $0xFFFFE000  }
0xe4: {  	[tilespmem:s7], [sflag:$0x2] =	stream.indirect.gather [hbm4b:s4+s5], $0x40, s18, s5, $0xb8;
	[tilespmem:$0x4800] =	vst v63  }
0xe5: {  	_ =	swait.ge [sflag:s8], $0x2000  }
0xe6: {  	[sflag:s8] =	ssyncset.done $0x0  }
0xe7: {  	[sflag:s8] =	ssyncadd.s32 $0xFFFFE000  }
0xe8: {  	[hbm4b:s19+s2] =	stream.linear.scatter [tilespmem:s6], [sflag:$0x3], $0x2000, $0x38;
	[tilespmem:$0x4800] =	vst v63  }
0xe9: {  	_ =	swait.ge [sflag:s3], $0x2000  }
0xea: {  	[sflag:s3] =	ssyncset.done $0x0  }
0xeb: {  	[sflag:s3] =	ssyncadd.s32 $0xFFFFE000  }
0xec: {  	[tilespmem:s6], [sflag:$0x1] =	stream.indirect.gather [hbm4b:s4+s5], $0x40, s20, s5, $0xb8;
	[tilespmem:$0x4800] =	vst v63  }
0xed: {  	_ =	swait.ge [sflag:s10], $0x2000  }
0xee: {  	[sflag:s10] =	ssyncset.done $0x0  }
0xef: {  	[sflag:s10] =	ssyncadd.s32 $0xFFFFE000  }
0xf0: {  	[hbm4b:s21+s2] =	stream.linear.scatter [tilespmem:s7], [sflag:$0x3], $0x2000, $0x38;
	[tilespmem:$0x4800] =	vst v63  }
0xf1: {  	_ =	swait.ge [sflag:s3], $0x2000  }
0xf2: {  	[sflag:s3] =	ssyncset.done $0x0  }
0xf3: {  	[sflag:s3] =	ssyncadd.s32 $0xFFFFE000  }
0xf4: {  	[tilespmem:s7], [sflag:$0x2] =	stream.indirect.gather [hbm4b:s4+s5], $0x40, s22, s5, $0xb8;
	[tilespmem:$0x4800] =	vst v63  }
0xf5: {  	_ =	swait.ge [sflag:s8], $0x2000  }
0xf6: {  	[sflag:s8] =	ssyncset.done $0x0  }
0xf7: {  	[sflag:s8] =	ssyncadd.s32 $0xFFFFE000  }
0xf8: {  	[hbm4b:s23+s2] =	stream.linear.scatter [tilespmem:s6], [sflag:$0x3], $0x2000, $0x38;
	[tilespmem:$0x4800] =	vst v63  }
0xf9: {  	_ =	swait.ge [sflag:s3], $0x2000  }
0xfa: {  	[sflag:s3] =	ssyncset.done $0x0  }
0xfb: {  	[sflag:s3] =	ssyncadd.s32 $0xFFFFE000  }
0xfc: {  	[tilespmem:s6], [sflag:$0x1] =	stream.indirect.gather [hbm4b:s4+s5], $0x40, s24, s5, $0xb8;
	[tilespmem:$0x4800] =	vst v63  }
0xfd: {  	_ =	swait.ge [sflag:s10], $0x2000  }
0xfe: {  	[sflag:s10] =	ssyncset.done $0x0  }
0xff: {  	[sflag:s10] =	ssyncadd.s32 $0xFFFFE000  }
0x100: {  	[hbm4b:s25+s2] =	stream.linear.scatter [tilespmem:s7], [sflag:$0x3], $0x2000, $0x38;
	[tilespmem:$0x4800] =	vst v63  }
0x101: {  	_ =	swait.ge [sflag:s3], $0x2000  }
0x102: {  	[sflag:s3] =	ssyncset.done $0x0  }
0x103: {  	[sflag:s3] =	ssyncadd.s32 $0xFFFFE000  }
0x104: {  	[tilespmem:s7], [sflag:$0x2] =	stream.indirect.gather [hbm4b:s4+s5], $0x40, s26, s5, $0xb8;
	[tilespmem:$0x4800] =	vst v63  }
0x105: {  	_ =	swait.ge [sflag:s8], $0x2000  }
0x106: {  	[sflag:s8] =	ssyncset.done $0x0  }
0x107: {  	[sflag:s8] =	ssyncadd.s32 $0xFFFFE000  }
0x108: {  	[hbm4b:s28+s2] =	stream.linear.scatter [tilespmem:s6], [sflag:$0x3], $0x2000, $0x38;
	[tilespmem:$0x4800] =	vst v63  }
0x109: {  	_ =	swait.ge [sflag:s3], $0x2000  }
0x10a: {  	[sflag:s3] =	ssyncset.done $0x0  }
0x10b: {  	[sflag:s3] =	ssyncadd.s32 $0xFFFFE000  }
0x10c: {  	[tilespmem:s6], [sflag:$0x1] =	stream.indirect.gather [hbm4b:s4+s5], $0x40, s29, s5, $0xb8;
	[tilespmem:$0x4800] =	vst v63  }
0x10d: {  	_ =	swait.ge [sflag:s10], $0x2000  }
0x10e: {  	[sflag:s10] =	ssyncset.done $0x0  }
0x10f: {  	[sflag:s10] =	ssyncadd.s32 $0xFFFFE000  }
0x110: {  	[hbm4b:s30+s2] =	stream.linear.scatter [tilespmem:s7], [sflag:$0x3], $0x2000, $0x38;
	[tilespmem:$0x4800] =	vst v63  }
0x111: {  	_ =	swait.ge [sflag:s3], $0x2000  }
0x112: {  	[sflag:s3] =	ssyncset.done $0x0  }
0x113: {  	[sflag:s3] =	ssyncadd.s32 $0xFFFFE000  }
0x114: {  	[tilespmem:s7], [sflag:$0x2] =	stream.indirect.gather [hbm4b:s4+s5], $0x40, s31, s5, $0xb8;
	[tilespmem:$0x4800] =	vst v63  }
0x115: {  	_ =	swait.ge [sflag:s8], $0x2000  }
0x116: {  	[sflag:s8] =	ssyncset.done $0x0  }
0x117: {  	s0 =	rddreg [dreg:$0x4];
	[sflag:s8] =	ssyncadd.s32 $0xFFFFE000  }
0x118: {  	[hbm4b:s0+s2] =	stream.linear.scatter [tilespmem:s6], [sflag:$0x3], $0x2000, $0x38;
	[tilespmem:$0x4800] =	vst v63  }
0x119: {  	_ =	swait.ge [sflag:s3], $0x2000  }
0x11a: {  	[sflag:s3] =	ssyncset.done $0x0  }
0x11b: {  	p0 =	sne.s32 s1, $0x1;
	[sflag:s3] =	ssyncadd.s32 $0xFFFFE000  }
.Ltmp1:
0x11c: {  	_ =	swait.ge [sflag:s10], $0x2000;
	(pc) =	sbr.rel @p0 .LBB2_1-.Ltmp1, $4  }
0x11d: {  	[sflag:s10] =	ssyncset.done $0x0  }
0x11e: {  	s0 =	rddreg [dreg:$0x5];
	[sflag:s10] =	ssyncadd.s32 $0xFFFFE000  }
0x11f: {  	[hbm4b:s0+s2] =	stream.linear.scatter [tilespmem:s7], [sflag:$0x3], $0x2000, $0x38;
	[tilespmem:$0x4800] =	vst v63  }
0x120: {  	s1 =	sadd.s32 $0xFFFFFFFF, s1;
	_ =	swait.ge [sflag:s3], $0x2000  }
.LBB2_2:
0x121: {  	[sflag:s3] =	ssyncset.done $0x0  }
0x122: {  	[sflag:s3] =	ssyncadd.s32 $0xFFFFE000  }
0x123: {  	_ =	sfence.sel $0x180000  }
0x124: {  	[bflag:$0x0] =	sbarrier.arrive $0xFFFF  }
0x125: {  	_ =	strace $0x9000004A  }
0x126: {  	s0 =	stileid.u32;
	[bflag:$0x2] =	sbarrier.arrive $0xFFFF  }
0x127: {  	p0 =	sne.s32 s0, $0x0;
	s0 =	rddreg [dreg:$0x1]  }
0x128: {  	s0 =	sadd.s32 @!p0 $0x100000, s0  }
0x129: {  	[sflag:s0] =	ssyncadd.tile.s32 @!p0 $0x1;
	_ =	shalt  }
.Lfunc_end2:
_tile_overlayer_lowered:
.L_overlay_start_2:
0x12a: {  	(tag) =	ssettag $0x2  }
0x12b: {  	s0 =	rddreg [dreg:$0x0];
	s2 =	stileid.u32  }
0x12c: {  	s1 =	rddreg [dreg:$0x1];
	p0 =	sne.s32 s2, $0x0  }
0x12d: {  	s3 =	rddreg [dreg:$0x2];
	[bflag:$0x3] =	sbarrier.arrive $0xFFFF;
	s2 =	simm.s32 @!p0 $0x1C03  }
0x12e: {  	[timem:s3], [sflag:s2] =	dma.local @!p0 [hbm:s0], s1  }
0x12f: {  	s0 =	simm.s32 @!p0 $0x3  }
0x130: {  	_ =	swait.ge @!p0 [sflag:s0], s1  }
0x131: {  	s1 =	ssub.s32 @!p0 $0x0, s1;
	[sflag:s0] =	ssyncset.done @!p0 $0x0  }
0x132: {  	[sflag:s0] =	ssyncadd.s32 @!p0 s1  }
0x133: {  	[bflag:$0x3] =	sbarrier.arrive $0xFFFF  }
0x134: {  	_ =	shalt  }

</sc_bundles>
